<compile_context>
chip_gen: v7x
topology: tpu7x:2x2x1
jax: 0.10.2.dev20260603
libtpu: 0.0.44.dev20260713+nightly
codegen_flags: <defaults>
</compile_context>

<pallas_src>
import functools
import math

import jax
import jax.numpy as jnp
from jax import lax
from jax.experimental import pallas as pl
from jax.experimental.pallas import tpu as pltpu
from jax.experimental.pallas import tpu_sc as plsc

B = 4096
IN_DIM = 768
SIG_DIM = 32
E = 8
EXPERT_DIM = 768
HID = E * 2

KA = IN_DIM + 128
TB = 512
NB = B // TB
G = NB + E - 1

NC = 2
NS = 16
NW = NC * NS
RPW = B // NW

_SQRT2 = math.sqrt(2.0)


def _router_kernel(x_ref, s2_ref, w1x_ref, w1s_ref, b1_ref, w2_ref, b2_ref,
                   xaug_ref, idx_ref):
    xb = x_ref[...]
    h = (jnp.dot(xb, w1x_ref[...], preferred_element_type=jnp.float32)
         + jnp.dot(s2_ref[...], w1s_ref[...], preferred_element_type=jnp.float32)
         + b1_ref[...])
    h = 0.5 * h * (1.0 + jax.lax.erf(h / _SQRT2))
    logits = jnp.dot(h, w2_ref[...], preferred_element_type=jnp.float32) + b2_ref[...]
    m = jnp.max(logits, axis=-1, keepdims=True)
    ssum = jnp.sum(jnp.exp(logits - m), axis=-1, keepdims=True)
    w = 1.0 / ssum
    idx = jnp.argmax(logits, axis=-1)[:, None]

    xaug_ref[:, :IN_DIM] = w * xb
    lane = lax.broadcasted_iota(jnp.int32, (TB, KA - IN_DIM), 1)
    xaug_ref[:, IN_DIM:] = jnp.where(lane == 0, w, 0.0)
    idx_ref[...] = idx


def _run_router(x, s2, w1x, w1s, b1, W2, b2):
    return pl.pallas_call(
        _router_kernel,
        grid=(NB,),
        in_specs=[
            pl.BlockSpec((TB, IN_DIM), lambda i: (i, 0)),
            pl.BlockSpec((TB, SIG_DIM + 3), lambda i: (i, 0)),
            pl.BlockSpec(w1x.shape, lambda i: (0, 0)),
            pl.BlockSpec(w1s.shape, lambda i: (0, 0)),
            pl.BlockSpec((1, HID), lambda i: (0, 0)),
            pl.BlockSpec(W2.shape, lambda i: (0, 0)),
            pl.BlockSpec((1, E), lambda i: (0, 0)),
        ],
        out_specs=[
            pl.BlockSpec((TB, KA), lambda i: (i, 0)),
            pl.BlockSpec((TB, 1), lambda i: (i, 0)),
        ],
        out_shape=[
            jax.ShapeDtypeStruct((B, KA), jnp.float32),
            jax.ShapeDtypeStruct((B, 1), jnp.int32),
        ],
    )(x, s2, w1x, w1s, b1, W2, b2)


def _permute_rows(src, idxs, d):
    mesh = plsc.VectorSubcoreMesh(core_axis_name="c", subcore_axis_name="s")

    @functools.partial(
        pl.kernel,
        out_type=jax.ShapeDtypeStruct((B, d), jnp.float32),
        mesh=mesh,
        scratch_types=[
            pltpu.VMEM((RPW,), jnp.int32),
            pltpu.VMEM((RPW, d), jnp.float32),
            pltpu.SemaphoreType.DMA,
        ],
    )
    def _perm(src_hbm, idx_hbm, out_hbm, idx_v, rows_v, sem):
        wid = lax.axis_index("s") * NC + lax.axis_index("c")
        base = wid * RPW
        pltpu.sync_copy(idx_hbm.at[pl.ds(base, RPW)], idx_v)
        pltpu.async_copy(src_hbm.at[idx_v], rows_v, sem).wait()
        pltpu.sync_copy(rows_v, out_hbm.at[pl.ds(base, RPW)])

    return _perm(src, idxs)


def _scatter_rows(src, idxs, d):
    mesh = plsc.VectorSubcoreMesh(core_axis_name="c", subcore_axis_name="s")

    @functools.partial(
        pl.kernel,
        out_type=jax.ShapeDtypeStruct((B, d), jnp.float32),
        mesh=mesh,
        scratch_types=[
            pltpu.VMEM((RPW,), jnp.int32),
            pltpu.VMEM((RPW, d), jnp.float32),
            pltpu.SemaphoreType.DMA,
        ],
    )
    def _scat(src_hbm, idx_hbm, out_hbm, idx_v, rows_v, sem):
        wid = lax.axis_index("s") * NC + lax.axis_index("c")
        base = wid * RPW
        pltpu.sync_copy(idx_hbm.at[pl.ds(base, RPW)], idx_v)
        pltpu.sync_copy(src_hbm.at[pl.ds(base, RPW)], rows_v)
        pltpu.async_copy(rows_v, out_hbm.at[idx_v], sem).wait()

    return _scat(src, idxs)


def _grouped_kernel(blk_ref, we_ref_idx, first_ref, off_ref, es_ref,
                    xs_ref, we_ref, be_ref, out_ref):
    g = pl.program_id(0)
    b = blk_ref[g]
    e = es_ref[g]
    lo = off_ref[e]
    hi = off_ref[e + 1]
    rowpos = b * TB + lax.broadcasted_iota(jnp.int32, (TB, 1), 0)
    mask = ((rowpos >= lo) & (rowpos < hi)).astype(jnp.float32)
    xs = xs_ref[...]
    x768 = xs[:, :IN_DIM]
    wcol = xs[:, IN_DIM:IN_DIM + 1]
    prod = jnp.dot(x768, we_ref[0], preferred_element_type=jnp.float32)
    contrib = mask * (prod + wcol * be_ref[0])

    @pl.when(first_ref[g] == 1)
    def _():
        out_ref[...] = contrib

    @pl.when(first_ref[g] == 0)
    def _():
        out_ref[...] = out_ref[...] + contrib


def _run_grouped(blk, wi, first, off_ext, es, xsorted, We, be3):
    grid_spec = pltpu.PrefetchScalarGridSpec(
        num_scalar_prefetch=5,
        grid=(G,),
        in_specs=[
            pl.BlockSpec((TB, KA), lambda g, blk, wi, fi, off, es: (blk[g], 0)),
            pl.BlockSpec((1, IN_DIM, EXPERT_DIM),
                         lambda g, blk, wi, fi, off, es: (wi[g], 0, 0)),
            pl.BlockSpec((1, 1, EXPERT_DIM),
                         lambda g, blk, wi, fi, off, es: (wi[g], 0, 0)),
        ],
        out_specs=pl.BlockSpec((TB, EXPERT_DIM),
                               lambda g, blk, wi, fi, off, es: (blk[g], 0)),
    )
    return pl.pallas_call(
        _grouped_kernel,
        grid_spec=grid_spec,
        out_shape=jax.ShapeDtypeStruct((B, EXPERT_DIM), jnp.float32),
    )(blk, wi, first, off_ext, es, xsorted, We, be3)


@jax.jit
def kernel(x, physical_signature, task_context, resource_state,
           W1, b1, W2, b2, We, be):
    s2 = jnp.concatenate([physical_signature, task_context, resource_state],
                         axis=-1)
    w1x = W1[:IN_DIM]
    w1s = W1[IN_DIM:]

    xaug, idxo = _run_router(x, s2, w1x, w1s, b1[None, :], W2, b2[None, :])
    idx = idxo[:, 0]

    i32 = jnp.int32
    ohb = idx[:, None] == jnp.arange(E, dtype=i32)[None, :]
    cf = jnp.cumsum(ohb.astype(jnp.float32), axis=0)
    c = cf.astype(i32)
    counts = c[-1]
    ends = jnp.cumsum(counts)
    off = jnp.concatenate([jnp.zeros((1,), i32), ends]).astype(i32)
    off_ext = jnp.concatenate([off, jnp.full((1,), B, i32)])
    rank = jnp.sum(jnp.where(ohb, c, 0), axis=1) - 1
    start_of = jnp.sum(jnp.where(ohb, off[None, :E], 0), axis=1)
    position = start_of + rank

    bb = jnp.arange(NB, dtype=i32)
    e_lo = jnp.sum((ends[None, :] <= bb[:, None] * TB).astype(i32), axis=1)
    e_hi = jnp.sum((ends[None, :] <= (bb[:, None] + 1) * TB - 1).astype(i32),
                   axis=1)
    spans = e_hi - e_lo + 1
    start = jnp.concatenate([jnp.zeros((1,), i32),
                             jnp.cumsum(spans)]).astype(i32)
    g = jnp.arange(G, dtype=i32)
    b_of_g = jnp.clip(
        jnp.sum((start[None, 1:] <= g[:, None]).astype(i32), axis=1),
        0, NB - 1)
    gsb = jnp.sum(jnp.where(bb[None, :] == b_of_g[:, None],
                            start[None, :NB], 0), axis=1)
    gel = jnp.sum(jnp.where(bb[None, :] == b_of_g[:, None],
                            e_lo[None, :], 0), axis=1)
    e_of_g = jnp.clip(gel + (g - gsb), 0, E).astype(i32)
    first_of_g = (g == gsb).astype(i32)
    we_of_g = jnp.minimum(e_of_g, E - 1)

    xsorted = _scatter_rows(xaug, position, KA)
    be3 = be[:, None, :]
    sortedraw = _run_grouped(b_of_g, we_of_g, first_of_g, off_ext, e_of_g,
                             xsorted, We, be3)
    out = _permute_rows(sortedraw, position, EXPERT_DIM)
    return out

# --- scband reference (transcript-rebuilt; emitter-appended) ---
"""Pipeline reference for scband-physical-mo-e-35966056137152 (READ-ONLY COPY).

The authoritative reference and input builder live on the scoring server;
editing this copy changes nothing except your own understanding.
"""

import jax, jax.numpy as jnp
import numpy as np

E = 8
TOP_K = 1
IN_DIM = 768
SIG_DIM = 32
EXPERT_DIM = 768
B = 4096

def setup_inputs(seed: int = 0) -> dict:
    key = jax.random.key(seed)
    ks = jax.random.split(key, 12)
    x = jax.random.normal(ks[0], (B, IN_DIM), dtype=jnp.float32)
    sig = jax.random.normal(ks[1], (B, SIG_DIM), dtype=jnp.float32)
    tc = jax.random.uniform(ks[2], (B, 1), dtype=jnp.float32)
    rs = jax.random.uniform(ks[3], (B, 2), dtype=jnp.float32)
    router_in = IN_DIM + SIG_DIM + 3
    hid = E * 2
    s1 = 1.0 / np.sqrt(router_in)
    s2 = 1.0 / np.sqrt(hid)
    se = 1.0 / np.sqrt(IN_DIM)
    W1 = jax.random.uniform(ks[4], (router_in, hid), dtype=jnp.float32, minval=-s1, maxval=s1)
    b1 = jax.random.uniform(ks[5], (hid,), dtype=jnp.float32, minval=-s1, maxval=s1)
    W2 = jax.random.uniform(ks[6], (hid, E), dtype=jnp.float32, minval=-s2, maxval=s2)
    b2 = jax.random.uniform(ks[7], (E,), dtype=jnp.float32, minval=-s2, maxval=s2)
    We = jax.random.uniform(ks[8], (E, IN_DIM, EXPERT_DIM), dtype=jnp.float32, minval=-se, maxval=se)
    be = jax.random.uniform(ks[9], (E, EXPERT_DIM), dtype=jnp.float32, minval=-se, maxval=se)
    return {"x": x, "physical_signature": sig, "task_context": tc, "resource_state": rs,
            "W1": W1, "b1": b1, "W2": W2, "b2": b2, "We": We, "be": be}

def reference(x, physical_signature, task_context, resource_state, W1, b1, W2, b2, We, be):
    combined = jnp.concatenate([x, physical_signature, task_context, resource_state], axis=-1)
    h = combined @ W1 + b1
    h = jax.nn.gelu(h, approximate=False)
    logits = h @ W2 + b2
    weights = jax.nn.softmax(logits, axis=-1)
    top_w, top_idx = jax.lax.top_k(weights, TOP_K)
    out = jnp.zeros((x.shape[0], EXPERT_DIM), dtype=x.dtype)
    for i in range(TOP_K):
        idx = top_idx[:, i]
        w = top_w[:, i:i + 1]
        for j in range(E):
            mask = (idx == j)[:, None]
            ex_out = x @ We[j] + be[j]
            out = out + jnp.where(mask, w * ex_out, jnp.zeros_like(ex_out))
    return out

if __name__ == "__main__":
    import jax
    _d = setup_inputs()
    print(jax.jit(kernel)(*tuple(_d.values())))

</pallas_src>

<mosaic_0001>
#map = affine_map<(d0, d1) -> (0, 0)>
#map1 = affine_map<(d0, d1) -> (0)>
module attributes {stable_mosaic.version = 14 : i64} {
  func.func @_scat(%arg0: i32, %arg1: i32, %arg2: memref<4096x896xf32, #tpu.memory_space<hbm>>, %arg3: memref<4096xi32, #tpu.memory_space<hbm>>, %arg4: memref<4096x896xf32, #tpu.memory_space<hbm>>, %arg5: memref<128xi32, #tpu.memory_space<vmem>>, %arg6: memref<128x896xf32, #tpu.memory_space<vmem>>, %arg7: memref<!tpu.dma_semaphore, #tpu.memory_space<semaphore_mem>>) attributes {dimension_semantics = [#tpu.dimension_semantics<core_parallel>, #tpu.dimension_semantics<subcore_parallel>], iteration_bounds = array<i64: 2, 16>, scalar_prefetch = 0 : i64, scratch_operands = 3 : i64, tpu.core_type = #tpu.core_type<sc_vector_subcore>, window_params = [{transform_indices = #map}, {transform_indices = #map1}, {transform_indices = #map}]} {
    %mul3A = arith.constant 2 : i32
    %mul3A_0 = arith.muli %arg1, %mul3A : i32
    %add3A = arith.addi %mul3A_0, %arg0 : i32
    %mul3A_1 = arith.constant 128 : i32
    %mul3A_2 = arith.muli %add3A, %mul3A_1 : i32
    "tpu.region"() ({
      %run_scoped3A = tpu.sem_alloc : memref<!tpu.dma_semaphore, #tpu.memory_space<semaphore_mem>>
      %dma_start3A_7 = tpu.memref_slice %arg3[%mul3A_2] : memref<4096xi32, #tpu.memory_space<hbm>> -> memref<128xi32, #tpu.memory_space<hbm>>
      %dma_start3A_8 = tpu.memref_slice %arg3[%mul3A_2] : memref<4096xi32, #tpu.memory_space<hbm>> -> memref<128xi32, #tpu.memory_space<hbm>>
      tpu.enqueue_dma source(%dma_start3A_8 : memref<128xi32, #tpu.memory_space<hbm>>) target(%arg5 : memref<128xi32, #tpu.memory_space<vmem>>) target_semaphore(%run_scoped3A : memref<!tpu.dma_semaphore, #tpu.memory_space<semaphore_mem>>)
      %dma_wait3A_9 = tpu.memref_slice %arg3[%mul3A_2] : memref<4096xi32, #tpu.memory_space<hbm>> -> memref<128xi32, #tpu.memory_space<hbm>>
      %dma_wait3A_10 = tpu.memref_slice %arg3[%mul3A_2] : memref<4096xi32, #tpu.memory_space<hbm>> -> memref<128xi32, #tpu.memory_space<hbm>>
      tpu.wait_dma2 semaphore(%run_scoped3A : memref<!tpu.dma_semaphore, #tpu.memory_space<semaphore_mem>>) src(%dma_wait3A_10 : memref<128xi32, #tpu.memory_space<hbm>>) dst(%arg5 : memref<128xi32, #tpu.memory_space<vmem>>)
      tpu.yield
    }) : () -> ()
    "tpu.region"() ({
      %run_scoped3A = tpu.sem_alloc : memref<!tpu.dma_semaphore, #tpu.memory_space<semaphore_mem>>
      %dma_start3A_7 = arith.constant 0 : i32
      %dma_start3A_8 = tpu.memref_slice %arg2[%mul3A_2, %dma_start3A_7] : memref<4096x896xf32, #tpu.memory_space<hbm>> -> memref<128x896xf32, #tpu.memory_space<hbm>>
      %dma_start3A_9 = arith.constant 0 : i32
      %dma_start3A_10 = tpu.memref_slice %arg2[%mul3A_2, %dma_start3A_9] : memref<4096x896xf32, #tpu.memory_space<hbm>> -> memref<128x896xf32, #tpu.memory_space<hbm>>
      tpu.enqueue_dma source(%dma_start3A_10 : memref<128x896xf32, #tpu.memory_space<hbm>>) target(%arg6 : memref<128x896xf32, #tpu.memory_space<vmem>>) target_semaphore(%run_scoped3A : memref<!tpu.dma_semaphore, #tpu.memory_space<semaphore_mem>>)
      %dma_wait3A_11 = arith.constant 0 : i32
      %dma_wait3A_12 = tpu.memref_slice %arg2[%mul3A_2, %dma_wait3A_11] : memref<4096x896xf32, #tpu.memory_space<hbm>> -> memref<128x896xf32, #tpu.memory_space<hbm>>
      %dma_wait3A_13 = arith.constant 0 : i32
      %dma_wait3A_14 = tpu.memref_slice %arg2[%mul3A_2, %dma_wait3A_13] : memref<4096x896xf32, #tpu.memory_space<hbm>> -> memref<128x896xf32, #tpu.memory_space<hbm>>
      tpu.wait_dma2 semaphore(%run_scoped3A : memref<!tpu.dma_semaphore, #tpu.memory_space<semaphore_mem>>) src(%dma_wait3A_14 : memref<128x896xf32, #tpu.memory_space<hbm>>) dst(%arg6 : memref<128x896xf32, #tpu.memory_space<vmem>>)
      tpu.yield
    }) : () -> ()
    %dma_start3A = arith.constant 0 : i32
    %dma_start3A_3 = arith.constant 0 : i32
    %dma_start3A_4 = tpu.memref_slice %arg4[%dma_start3A, %dma_start3A_3] : memref<4096x896xf32, #tpu.memory_space<hbm>> -> memref<4096x896xf32, #tpu.memory_space<hbm>>
    tpu.enqueue_indirect_dma source(%arg6 : memref<128x896xf32, #tpu.memory_space<vmem>>) target(%dma_start3A_4 : memref<4096x896xf32, #tpu.memory_space<hbm>>) offsets(%arg5 : memref<128xi32, #tpu.memory_space<vmem>>) semaphore(%arg7 : memref<!tpu.dma_semaphore, #tpu.memory_space<semaphore_mem>>)
    %dma_wait3A = arith.constant 0 : i32
    %dma_wait3A_5 = arith.constant 0 : i32
    %dma_wait3A_6 = tpu.memref_slice %arg4[%dma_wait3A, %dma_wait3A_5] : memref<4096x896xf32, #tpu.memory_space<hbm>> -> memref<4096x896xf32, #tpu.memory_space<hbm>>
    tpu.wait_indirect_dma semaphore(%arg7 : memref<!tpu.dma_semaphore, #tpu.memory_space<semaphore_mem>>) src(%arg6 : memref<128x896xf32, #tpu.memory_space<vmem>>) dst(%dma_wait3A_6 : memref<4096x896xf32, #tpu.memory_space<hbm>>)
    return
  }
}

#map = affine_map<(d0, d1) -> (0, 0)>
#map1 = affine_map<(d0, d1) -> (0)>
module attributes {stable_mosaic.version = 14 : i64} {
  func.func @_perm(%arg0: i32, %arg1: i32, %arg2: memref<4096x768xf32, #tpu.memory_space<hbm>>, %arg3: memref<4096xi32, #tpu.memory_space<hbm>>, %arg4: memref<4096x768xf32, #tpu.memory_space<hbm>>, %arg5: memref<128xi32, #tpu.memory_space<vmem>>, %arg6: memref<128x768xf32, #tpu.memory_space<vmem>>, %arg7: memref<!tpu.dma_semaphore, #tpu.memory_space<semaphore_mem>>) attributes {dimension_semantics = [#tpu.dimension_semantics<core_parallel>, #tpu.dimension_semantics<subcore_parallel>], iteration_bounds = array<i64: 2, 16>, scalar_prefetch = 0 : i64, scratch_operands = 3 : i64, tpu.core_type = #tpu.core_type<sc_vector_subcore>, window_params = [{transform_indices = #map}, {transform_indices = #map1}, {transform_indices = #map}]} {
    %mul3A = arith.constant 2 : i32
    %mul3A_0 = arith.muli %arg1, %mul3A : i32
    %add3A = arith.addi %mul3A_0, %arg0 : i32
    %mul3A_1 = arith.constant 128 : i32
    %mul3A_2 = arith.muli %add3A, %mul3A_1 : i32
    "tpu.region"() ({
      %run_scoped3A = tpu.sem_alloc : memref<!tpu.dma_semaphore, #tpu.memory_space<semaphore_mem>>
      %dma_start3A_7 = tpu.memref_slice %arg3[%mul3A_2] : memref<4096xi32, #tpu.memory_space<hbm>> -> memref<128xi32, #tpu.memory_space<hbm>>
      %dma_start3A_8 = tpu.memref_slice %arg3[%mul3A_2] : memref<4096xi32, #tpu.memory_space<hbm>> -> memref<128xi32, #tpu.memory_space<hbm>>
      tpu.enqueue_dma source(%dma_start3A_8 : memref<128xi32, #tpu.memory_space<hbm>>) target(%arg5 : memref<128xi32, #tpu.memory_space<vmem>>) target_semaphore(%run_scoped3A : memref<!tpu.dma_semaphore, #tpu.memory_space<semaphore_mem>>)
      %dma_wait3A_9 = tpu.memref_slice %arg3[%mul3A_2] : memref<4096xi32, #tpu.memory_space<hbm>> -> memref<128xi32, #tpu.memory_space<hbm>>
      %dma_wait3A_10 = tpu.memref_slice %arg3[%mul3A_2] : memref<4096xi32, #tpu.memory_space<hbm>> -> memref<128xi32, #tpu.memory_space<hbm>>
      tpu.wait_dma2 semaphore(%run_scoped3A : memref<!tpu.dma_semaphore, #tpu.memory_space<semaphore_mem>>) src(%dma_wait3A_10 : memref<128xi32, #tpu.memory_space<hbm>>) dst(%arg5 : memref<128xi32, #tpu.memory_space<vmem>>)
      tpu.yield
    }) : () -> ()
    %dma_start3A = arith.constant 0 : i32
    %dma_start3A_3 = arith.constant 0 : i32
    %dma_start3A_4 = tpu.memref_slice %arg2[%dma_start3A, %dma_start3A_3] : memref<4096x768xf32, #tpu.memory_space<hbm>> -> memref<4096x768xf32, #tpu.memory_space<hbm>>
    tpu.enqueue_indirect_dma source(%dma_start3A_4 : memref<4096x768xf32, #tpu.memory_space<hbm>>) target(%arg6 : memref<128x768xf32, #tpu.memory_space<vmem>>) offsets(%arg5 : memref<128xi32, #tpu.memory_space<vmem>>) semaphore(%arg7 : memref<!tpu.dma_semaphore, #tpu.memory_space<semaphore_mem>>)
    %dma_wait3A = arith.constant 0 : i32
    %dma_wait3A_5 = arith.constant 0 : i32
    %dma_wait3A_6 = tpu.memref_slice %arg2[%dma_wait3A, %dma_wait3A_5] : memref<4096x768xf32, #tpu.memory_space<hbm>> -> memref<4096x768xf32, #tpu.memory_space<hbm>>
    tpu.wait_indirect_dma semaphore(%arg7 : memref<!tpu.dma_semaphore, #tpu.memory_space<semaphore_mem>>) src(%dma_wait3A_6 : memref<4096x768xf32, #tpu.memory_space<hbm>>) dst(%arg6 : memref<128x768xf32, #tpu.memory_space<vmem>>)
    "tpu.region"() ({
      %run_scoped3A = tpu.sem_alloc : memref<!tpu.dma_semaphore, #tpu.memory_space<semaphore_mem>>
      %dma_start3A_7 = arith.constant 0 : i32
      %dma_start3A_8 = tpu.memref_slice %arg4[%mul3A_2, %dma_start3A_7] : memref<4096x768xf32, #tpu.memory_space<hbm>> -> memref<128x768xf32, #tpu.memory_space<hbm>>
      %dma_start3A_9 = arith.constant 0 : i32
      %dma_start3A_10 = tpu.memref_slice %arg4[%mul3A_2, %dma_start3A_9] : memref<4096x768xf32, #tpu.memory_space<hbm>> -> memref<128x768xf32, #tpu.memory_space<hbm>>
      tpu.enqueue_dma source(%arg6 : memref<128x768xf32, #tpu.memory_space<vmem>>) target(%dma_start3A_10 : memref<128x768xf32, #tpu.memory_space<hbm>>) target_semaphore(%run_scoped3A : memref<!tpu.dma_semaphore, #tpu.memory_space<semaphore_mem>>)
      %dma_wait3A_11 = arith.constant 0 : i32
      %dma_wait3A_12 = tpu.memref_slice %arg4[%mul3A_2, %dma_wait3A_11] : memref<4096x768xf32, #tpu.memory_space<hbm>> -> memref<128x768xf32, #tpu.memory_space<hbm>>
      %dma_wait3A_13 = arith.constant 0 : i32
      %dma_wait3A_14 = tpu.memref_slice %arg4[%mul3A_2, %dma_wait3A_13] : memref<4096x768xf32, #tpu.memory_space<hbm>> -> memref<128x768xf32, #tpu.memory_space<hbm>>
      tpu.wait_dma2 semaphore(%run_scoped3A : memref<!tpu.dma_semaphore, #tpu.memory_space<semaphore_mem>>) src(%arg6 : memref<128x768xf32, #tpu.memory_space<vmem>>) dst(%dma_wait3A_14 : memref<128x768xf32, #tpu.memory_space<hbm>>)
      tpu.yield
    }) : () -> ()
    return
  }
}

module attributes {stable_mosaic.version = 14 : i64} {
  func.func @_router_kernel(%arg0: i32, %arg1: memref<512x768xf32, #tpu.memory_space<vmem>>, %arg2: memref<512x35xf32, #tpu.memory_space<vmem>>, %arg3: memref<768x16xf32, #tpu.memory_space<vmem>>, %arg4: memref<35x16xf32, #tpu.memory_space<vmem>>, %arg5: memref<1x16xf32, #tpu.memory_space<vmem>>, %arg6: memref<16x8xf32, #tpu.memory_space<vmem>>, %arg7: memref<1x8xf32, #tpu.memory_space<vmem>>, %arg8: memref<512x896xf32, #tpu.memory_space<vmem>>, %arg9: memref<512x1xi32, #tpu.memory_space<vmem>>) attributes {dimension_semantics = [#tpu.dimension_semantics<arbitrary>], iteration_bounds = array<i64: 8>, scalar_prefetch = 0 : i64, scratch_operands = 0 : i64, tpu.core_type = #tpu.core_type<tc>, window_params = [{transform_indices = @transform_0, window_bounds = array<i64: 512, 768>}, {transform_indices = @transform_1, window_bounds = array<i64: 512, 35>}, {pipeline_mode = #tpu.pipeline_mode<synchronous>, transform_indices = @transform_2, window_bounds = array<i64: 768, 16>}, {pipeline_mode = #tpu.pipeline_mode<synchronous>, transform_indices = @transform_3, window_bounds = array<i64: 35, 16>}, {pipeline_mode = #tpu.pipeline_mode<synchronous>, transform_indices = @transform_4, window_bounds = array<i64: 1, 16>}, {pipeline_mode = #tpu.pipeline_mode<synchronous>, transform_indices = @transform_5, window_bounds = array<i64: 16, 8>}, {pipeline_mode = #tpu.pipeline_mode<synchronous>, transform_indices = @transform_6, window_bounds = array<i64: 1, 8>}, {transform_indices = @transform_7, window_bounds = array<i64: 512, 896>}, {transform_indices = @transform_8, window_bounds = array<i64: 512, 1>}]} {
    %get3A = arith.constant 0 : index
    %get3A_0 = arith.constant 0 : index
    %get3A_1 = vector.load %arg1[%get3A, %get3A_0] : memref<512x768xf32, #tpu.memory_space<vmem>>, vector<512x768xf32>
    %get3A_2 = arith.constant 0 : index
    %get3A_3 = arith.constant 0 : index
    %get3A_4 = vector.load %arg3[%get3A_2, %get3A_3] : memref<768x16xf32, #tpu.memory_space<vmem>>, vector<768x16xf32>
    %dot_general3A = arith.constant dense<0.000000e+00> : vector<512x16xf32>
    %dot_general3A_5 = tpu.matmul %get3A_1, %get3A_4, %dot_general3A {dimension_numbers = #tpu.dot_dimension_numbers<[1], [0], [0], [1], [0, 0, 1, 1], [], []>, transpose_lhs_hint = false} : vector<512x768xf32>, vector<768x16xf32>, vector<512x16xf32> -> vector<512x16xf32>
    %get3A_6 = arith.constant 0 : index
    %get3A_7 = arith.constant 0 : index
    %get3A_8 = vector.load %arg2[%get3A_6, %get3A_7] : memref<512x35xf32, #tpu.memory_space<vmem>>, vector<512x35xf32>
    %get3A_9 = arith.constant 0 : index
    %get3A_10 = arith.constant 0 : index
    %get3A_11 = vector.load %arg4[%get3A_9, %get3A_10] : memref<35x16xf32, #tpu.memory_space<vmem>>, vector<35x16xf32>
    %dot_general3A_12 = arith.constant dense<0.000000e+00> : vector<512x16xf32>
    %dot_general3A_13 = tpu.matmul %get3A_8, %get3A_11, %dot_general3A_12 {dimension_numbers = #tpu.dot_dimension_numbers<[1], [0], [0], [1], [0, 0, 1, 1], [], []>, transpose_lhs_hint = false} : vector<512x35xf32>, vector<35x16xf32>, vector<512x16xf32> -> vector<512x16xf32>
    %add3A = arith.addf %dot_general3A_5, %dot_general3A_13 : vector<512x16xf32>
    %get3A_14 = arith.constant 0 : index
    %get3A_15 = arith.constant 0 : index
    %get3A_16 = vector.load %arg5[%get3A_14, %get3A_15] : memref<1x16xf32, #tpu.memory_space<vmem>>, vector<1x16xf32>
    %add3A_17 = vector.broadcast %get3A_16 : vector<1x16xf32> to vector<512x16xf32>
    %add3A_18 = arith.addf %add3A, %add3A_17 : vector<512x16xf32>
    %mul3A = arith.constant 5.000000e-01 : f32
    %mul3A_19 = vector.broadcast %mul3A : f32 to vector<512x16xf32>
    %mul3A_20 = arith.mulf %mul3A_19, %add3A_18 : vector<512x16xf32>
    %div3A = arith.constant 1.41421354 : f32
    %div3A_21 = vector.broadcast %div3A : f32 to vector<512x16xf32>
    %div3A_22 = arith.divf %add3A_18, %div3A_21 : vector<512x16xf32>
    %erf3A = math.erf %div3A_22 : vector<512x16xf32>
    %add3A_23 = arith.constant 1.000000e+00 : f32
    %add3A_24 = vector.broadcast %add3A_23 : f32 to vector<512x16xf32>
    %add3A_25 = arith.addf %add3A_24, %erf3A : vector<512x16xf32>
    %mul3A_26 = arith.mulf %mul3A_20, %add3A_25 : vector<512x16xf32>
    %get3A_27 = arith.constant 0 : index
    %get3A_28 = arith.constant 0 : index
    %get3A_29 = vector.load %arg6[%get3A_27, %get3A_28] : memref<16x8xf32, #tpu.memory_space<vmem>>, vector<16x8xf32>
    %dot_general3A_30 = arith.constant dense<0.000000e+00> : vector<512x8xf32>
    %dot_general3A_31 = tpu.matmul %mul3A_26, %get3A_29, %dot_general3A_30 {dimension_numbers = #tpu.dot_dimension_numbers<[1], [0], [0], [1], [0, 0, 1, 1], [], []>, transpose_lhs_hint = false} : vector<512x16xf32>, vector<16x8xf32>, vector<512x8xf32> -> vector<512x8xf32>
    %get3A_32 = arith.constant 0 : index
    %get3A_33 = arith.constant 0 : index
    %get3A_34 = vector.load %arg7[%get3A_32, %get3A_33] : memref<1x8xf32, #tpu.memory_space<vmem>>, vector<1x8xf32>
    %add3A_35 = vector.broadcast %get3A_34 : vector<1x8xf32> to vector<512x8xf32>
    %add3A_36 = arith.addf %dot_general3A_31, %add3A_35 : vector<512x8xf32>
    %reduce_max3A = arith.constant dense<0xFF800000> : vector<512xf32>
    %reduce_max3A_37 = vector.multi_reduction <maximumf>, %add3A_36, %reduce_max3A [1] : vector<512x8xf32> to vector<512xf32>
    %broadcast_in_dim3A = vector.shape_cast %reduce_max3A_37 : vector<512xf32> to vector<512x1xf32>
    %sub3A = vector.broadcast %broadcast_in_dim3A : vector<512x1xf32> to vector<512x8xf32>
    %sub3A_38 = arith.subf %add3A_36, %sub3A : vector<512x8xf32>
    %exp3A = math.exp %sub3A_38 : vector<512x8xf32>
    %reduce_sum3A = arith.constant dense<0.000000e+00> : vector<512xf32>
    %reduce_sum3A_39 = vector.multi_reduction <add>, %exp3A, %reduce_sum3A [1] : vector<512x8xf32> to vector<512xf32>
    %broadcast_in_dim3A_40 = vector.shape_cast %reduce_sum3A_39 : vector<512xf32> to vector<512x1xf32>
    %div3A_41 = arith.constant 1.000000e+00 : f32
    %div3A_42 = vector.broadcast %div3A_41 : f32 to vector<512x1xf32>
    %div3A_43 = arith.divf %div3A_42, %broadcast_in_dim3A_40 : vector<512x1xf32>
    %argmax3A = tpu.reduce_index %add3A_36 {axis = 1 : i32, kind = #tpu.reduction_kind<arg_max>} : vector<512x8xf32> -> vector<512xi32>
    %broadcast_in_dim3A_44 = vector.shape_cast %argmax3A : vector<512xi32> to vector<512x1xi32>
    %mul3A_45 = vector.broadcast %div3A_43 : vector<512x1xf32> to vector<512x768xf32>
    %mul3A_46 = arith.mulf %mul3A_45, %get3A_1 : vector<512x768xf32>
    %swap3A = arith.constant 0 : index
    %swap3A_47 = arith.constant 0 : index
    %swap3A_48 = vector.load %arg8[%swap3A, %swap3A_47] : memref<512x896xf32, #tpu.memory_space<vmem>>, vector<512x768xf32>
    tpu.vector_store %arg8[%swap3A, %swap3A_47], %mul3A_46 {strides = array<i32>} : memref<512x896xf32, #tpu.memory_space<vmem>>, vector<512x768xf32>,
    %iota3A = tpu.iota {dimensions = array<i32: 1>} : vector<512x128xi32>
    %eq3A = arith.constant 0 : i32
    %eq3A_49 = vector.broadcast %eq3A : i32 to vector<512x128xi32>
    %eq3A_50 = arith.cmpi eq, %iota3A, %eq3A_49 : vector<512x128xi32>
    %jit3A = arith.constant 0.000000e+00 : f32
    %broadcast_in_dim3A_51 = vector.shape_cast %div3A_43 : vector<512x1xf32> to vector<512x1xf32>
    %broadcast_in_dim3A_52 = vector.broadcast %broadcast_in_dim3A_51 : vector<512x1xf32> to vector<512x128xf32>
    %broadcast_in_dim3A_53 = vector.broadcast %jit3A : f32 to vector<512x128xf32>
    %select_n3A = arith.select %eq3A_50, %broadcast_in_dim3A_52, %broadcast_in_dim3A_53 : vector<512x128xi1>, vector<512x128xf32>
    %swap3A_54 = arith.constant 0 : index
    %swap3A_55 = arith.constant 768 : index
    %swap3A_56 = vector.load %arg8[%swap3A_54, %swap3A_55] : memref<512x896xf32, #tpu.memory_space<vmem>>, vector<512x128xf32>
    tpu.vector_store %arg8[%swap3A_54, %swap3A_55], %select_n3A {strides = array<i32>} : memref<512x896xf32, #tpu.memory_space<vmem>>, vector<512x128xf32>,
    %swap3A_57 = arith.constant 0 : index
    %swap3A_58 = arith.constant 0 : index
    %swap3A_59 = vector.load %arg9[%swap3A_57, %swap3A_58] : memref<512x1xi32, #tpu.memory_space<vmem>>, vector<512x1xi32>
    tpu.vector_store %arg9[%swap3A_57, %swap3A_58], %broadcast_in_dim3A_44 {strides = array<i32>} : memref<512x1xi32, #tpu.memory_space<vmem>>, vector<512x1xi32>,
    return
  }
  func.func @transform_0(%arg0: i32) -> (i32, i32) {
    %c0_i32 = arith.constant 0 : i32
    %c0_i32_0 = arith.constant 0 : i32
    return %arg0, %c0_i32 : i32, i32
  }
  func.func @transform_1(%arg0: i32) -> (i32, i32) {
    %c0_i32 = arith.constant 0 : i32
    %c0_i32_0 = arith.constant 0 : i32
    return %arg0, %c0_i32 : i32, i32
  }
  func.func @transform_2(%arg0: i32) -> (i32, i32) {
    %c0_i32 = arith.constant 0 : i32
    %c0_i32_0 = arith.constant 0 : i32
    %c0_i32_1 = arith.constant 0 : i32
    return %c0_i32, %c0_i32_0 : i32, i32
  }
  func.func @transform_3(%arg0: i32) -> (i32, i32) {
    %c0_i32 = arith.constant 0 : i32
    %c0_i32_0 = arith.constant 0 : i32
    %c0_i32_1 = arith.constant 0 : i32
    return %c0_i32, %c0_i32_0 : i32, i32
  }
  func.func @transform_4(%arg0: i32) -> (i32, i32) {
    %c0_i32 = arith.constant 0 : i32
    %c0_i32_0 = arith.constant 0 : i32
    %c0_i32_1 = arith.constant 0 : i32
    return %c0_i32, %c0_i32_0 : i32, i32
  }
  func.func @transform_5(%arg0: i32) -> (i32, i32) {
    %c0_i32 = arith.constant 0 : i32
    %c0_i32_0 = arith.constant 0 : i32
    %c0_i32_1 = arith.constant 0 : i32
    return %c0_i32, %c0_i32_0 : i32, i32
  }
  func.func @transform_6(%arg0: i32) -> (i32, i32) {
    %c0_i32 = arith.constant 0 : i32
    %c0_i32_0 = arith.constant 0 : i32
    %c0_i32_1 = arith.constant 0 : i32
    return %c0_i32, %c0_i32_0 : i32, i32
  }
  func.func @transform_7(%arg0: i32) -> (i32, i32) {
    %c0_i32 = arith.constant 0 : i32
    %c0_i32_0 = arith.constant 0 : i32
    return %arg0, %c0_i32 : i32, i32
  }
  func.func @transform_8(%arg0: i32) -> (i32, i32) {
    %c0_i32 = arith.constant 0 : i32
    %c0_i32_0 = arith.constant 0 : i32
    return %arg0, %c0_i32 : i32, i32
  }
}

module attributes {stable_mosaic.version = 14 : i64} {
  func.func @_grouped_kernel(%arg0: i32, %arg1: memref<15xi32, #tpu.memory_space<smem>>, %arg2: memref<15xi32, #tpu.memory_space<smem>>, %arg3: memref<15xi32, #tpu.memory_space<smem>>, %arg4: memref<10xi32, #tpu.memory_space<smem>>, %arg5: memref<15xi32, #tpu.memory_space<smem>>, %arg6: memref<512x896xf32, #tpu.memory_space<vmem>>, %arg7: memref<1x768x768xf32, #tpu.memory_space<vmem>>, %arg8: memref<1x1x768xf32, #tpu.memory_space<vmem>>, %arg9: memref<512x768xf32, #tpu.memory_space<vmem>>) attributes {dimension_semantics = [#tpu.dimension_semantics<arbitrary>], iteration_bounds = array<i64: 15>, scalar_prefetch = 5 : i64, scratch_operands = 0 : i64, tpu.core_type = #tpu.core_type<tc>, window_params = [{transform_indices = @transform_0, window_bounds = array<i64: 512, 896>}, {transform_indices = @transform_1, window_bounds = array<i64: 1, 768, 768>}, {transform_indices = @transform_2, window_bounds = array<i64: 1, 1, 768>}, {transform_indices = @transform_3, window_bounds = array<i64: 512, 768>}]} {
    %get3A = arith.index_cast %arg0 : i32 to index
    %get3A_0 = memref.load %arg1[%get3A] : memref<15xi32, #tpu.memory_space<smem>>
    %get3A_1 = arith.index_cast %arg0 : i32 to index
    %get3A_2 = memref.load %arg5[%get3A_1] : memref<15xi32, #tpu.memory_space<smem>>
    %get3A_3 = arith.index_cast %get3A_2 : i32 to index
    %get3A_4 = memref.load %arg4[%get3A_3] : memref<10xi32, #tpu.memory_space<smem>>
    %add3A = arith.constant 1 : i32
    %add3A_5 = arith.addi %get3A_2, %add3A : i32
    %get3A_6 = arith.index_cast %add3A_5 : i32 to index
    %get3A_7 = memref.load %arg4[%get3A_6] : memref<10xi32, #tpu.memory_space<smem>>
    %mul3A = arith.constant 512 : i32
    %mul3A_8 = arith.muli %get3A_0, %mul3A : i32
    %iota3A = tpu.iota {dimensions = array<i32: 0>} : vector<512x1xi32>
    %add3A_9 = vector.broadcast %mul3A_8 : i32 to vector<512x1xi32>
    %add3A_10 = arith.addi %add3A_9, %iota3A : vector<512x1xi32>
    %ge3A = vector.broadcast %get3A_4 : i32 to vector<512x1xi32>
    %ge3A_11 = arith.cmpi sge, %add3A_10, %ge3A : vector<512x1xi32>
    %lt3A = vector.broadcast %get3A_7 : i32 to vector<512x1xi32>
    %lt3A_12 = arith.cmpi slt, %add3A_10, %lt3A : vector<512x1xi32>
    %and3A = arith.andi %ge3A_11, %lt3A_12 : vector<512x1xi1>
    %convert_element_type3A = arith.extui %and3A : vector<512x1xi1> to vector<512x1xi32>
    %convert_element_type3A_13 = arith.sitofp %convert_element_type3A : vector<512x1xi32> to vector<512x1xf32>
    %get3A_14 = arith.constant 0 : index
    %get3A_15 = arith.constant 0 : index
    %get3A_16 = vector.load %arg6[%get3A_14, %get3A_15] : memref<512x896xf32, #tpu.memory_space<vmem>>, vector<512x896xf32>
    %slice3A = vector.extract_strided_slice %get3A_16 {offsets = [0, 0], sizes = [512, 768], strides = [1, 1]} : vector<512x896xf32> to vector<512x768xf32>
    %slice3A_17 = vector.extract_strided_slice %get3A_16 {offsets = [0, 768], sizes = [512, 1], strides = [1, 1]} : vector<512x896xf32> to vector<512x1xf32>
    %get3A_18 = arith.constant 0 : index
    %get3A_19 = arith.constant 0 : index
    %get3A_20 = arith.constant 0 : index
    %get3A_21 = vector.load %arg7[%get3A_18, %get3A_19, %get3A_20] : memref<1x768x768xf32, #tpu.memory_space<vmem>>, vector<1x768x768xf32>
    %get3A_22 = vector.shape_cast %get3A_21 : vector<1x768x768xf32> to vector<768x768xf32>
    %dot_general3A = arith.constant dense<0.000000e+00> : vector<512x768xf32>
    %dot_general3A_23 = tpu.matmul %slice3A, %get3A_22, %dot_general3A {dimension_numbers = #tpu.dot_dimension_numbers<[1], [0], [0], [1], [0, 0, 1, 1], [], []>, transpose_lhs_hint = false} : vector<512x768xf32>, vector<768x768xf32>, vector<512x768xf32> -> vector<512x768xf32>
    %get3A_24 = arith.constant 0 : index
    %get3A_25 = arith.constant 0 : index
    %get3A_26 = arith.constant 0 : index
    %get3A_27 = vector.load %arg8[%get3A_24, %get3A_25, %get3A_26] : memref<1x1x768xf32, #tpu.memory_space<vmem>>, vector<1x1x768xf32>
    %get3A_28 = vector.shape_cast %get3A_27 : vector<1x1x768xf32> to vector<1x768xf32>
    %mul3A_29 = vector.broadcast %slice3A_17 : vector<512x1xf32> to vector<512x768xf32>
    %mul3A_30 = vector.broadcast %get3A_28 : vector<1x768xf32> to vector<512x768xf32>
    %mul3A_31 = arith.mulf %mul3A_29, %mul3A_30 : vector<512x768xf32>
    %add3A_32 = arith.addf %dot_general3A_23, %mul3A_31 : vector<512x768xf32>
    %mul3A_33 = vector.broadcast %convert_element_type3A_13 : vector<512x1xf32> to vector<512x768xf32>
    %mul3A_34 = arith.mulf %mul3A_33, %add3A_32 : vector<512x768xf32>
    %get3A_35 = arith.index_cast %arg0 : i32 to index
    %get3A_36 = memref.load %arg3[%get3A_35] : memref<15xi32, #tpu.memory_space<smem>>
    %eq3A = arith.constant 1 : i32
    %eq3A_37 = arith.cmpi eq, %get3A_36, %eq3A : i32
    %convert_element_type3A_38 = arith.extui %eq3A_37 : i1 to i32
    %cond3A = arith.constant 0 : i32
    %cond3A_39 = arith.cmpi ne, %convert_element_type3A_38, %cond3A : i32
    scf.if %cond3A_39 {
      %swap3A = arith.constant 0 : index
      %swap3A_47 = arith.constant 0 : index
      %swap3A_48 = vector.load %arg9[%swap3A, %swap3A_47] : memref<512x768xf32, #tpu.memory_space<vmem>>, vector<512x768xf32>
      tpu.vector_store %arg9[%swap3A, %swap3A_47], %mul3A_34 {strides = array<i32>} : memref<512x768xf32, #tpu.memory_space<vmem>>, vector<512x768xf32>,
    } else {
    }
    %get3A_40 = arith.index_cast %arg0 : i32 to index
    %get3A_41 = memref.load %arg3[%get3A_40] : memref<15xi32, #tpu.memory_space<smem>>
    %eq3A_42 = arith.constant 0 : i32
    %eq3A_43 = arith.cmpi eq, %get3A_41, %eq3A_42 : i32
    %convert_element_type3A_44 = arith.extui %eq3A_43 : i1 to i32
    %cond3A_45 = arith.constant 0 : i32
    %cond3A_46 = arith.cmpi ne, %convert_element_type3A_44, %cond3A_45 : i32
    scf.if %cond3A_46 {
      %get3A_47 = arith.constant 0 : index
      %get3A_48 = arith.constant 0 : index
      %get3A_49 = vector.load %arg9[%get3A_47, %get3A_48] : memref<512x768xf32, #tpu.memory_space<vmem>>, vector<512x768xf32>
      %add3A_50 = arith.addf %get3A_49, %mul3A_34 : vector<512x768xf32>
      %swap3A = arith.constant 0 : index
      %swap3A_51 = arith.constant 0 : index
      %swap3A_52 = vector.load %arg9[%swap3A, %swap3A_51] : memref<512x768xf32, #tpu.memory_space<vmem>>, vector<512x768xf32>
      tpu.vector_store %arg9[%swap3A, %swap3A_51], %add3A_50 {strides = array<i32>} : memref<512x768xf32, #tpu.memory_space<vmem>>, vector<512x768xf32>,
    } else {
    }
    return
  }
  func.func @transform_0(%arg0: i32, %arg1: memref<15xi32, #tpu.memory_space<smem>>, %arg2: memref<15xi32, #tpu.memory_space<smem>>, %arg3: memref<15xi32, #tpu.memory_space<smem>>, %arg4: memref<10xi32, #tpu.memory_space<smem>>, %arg5: memref<15xi32, #tpu.memory_space<smem>>) -> (i32, i32) {
    %get3A = arith.index_cast %arg0 : i32 to index
    %get3A_0 = memref.load %arg1[%get3A] : memref<15xi32, #tpu.memory_space<smem>>
    %c0_i32 = arith.constant 0 : i32
    %c0_i32_1 = arith.constant 0 : i32
    return %get3A_0, %c0_i32 : i32, i32
  }
  func.func @transform_1(%arg0: i32, %arg1: memref<15xi32, #tpu.memory_space<smem>>, %arg2: memref<15xi32, #tpu.memory_space<smem>>, %arg3: memref<15xi32, #tpu.memory_space<smem>>, %arg4: memref<10xi32, #tpu.memory_space<smem>>, %arg5: memref<15xi32, #tpu.memory_space<smem>>) -> (i32, i32, i32) {
    %get3A = arith.index_cast %arg0 : i32 to index
    %get3A_0 = memref.load %arg2[%get3A] : memref<15xi32, #tpu.memory_space<smem>>
    %c0_i32 = arith.constant 0 : i32
    %c0_i32_1 = arith.constant 0 : i32
    %c0_i32_2 = arith.constant 0 : i32
    return %get3A_0, %c0_i32, %c0_i32_1 : i32, i32, i32
  }
  func.func @transform_2(%arg0: i32, %arg1: memref<15xi32, #tpu.memory_space<smem>>, %arg2: memref<15xi32, #tpu.memory_space<smem>>, %arg3: memref<15xi32, #tpu.memory_space<smem>>, %arg4: memref<10xi32, #tpu.memory_space<smem>>, %arg5: memref<15xi32, #tpu.memory_space<smem>>) -> (i32, i32, i32) {
    %get3A = arith.index_cast %arg0 : i32 to index
    %get3A_0 = memref.load %arg2[%get3A] : memref<15xi32, #tpu.memory_space<smem>>
    %c0_i32 = arith.constant 0 : i32
    %c0_i32_1 = arith.constant 0 : i32
    %c0_i32_2 = arith.constant 0 : i32
    return %get3A_0, %c0_i32, %c0_i32_1 : i32, i32, i32
  }
  func.func @transform_3(%arg0: i32, %arg1: memref<15xi32, #tpu.memory_space<smem>>, %arg2: memref<15xi32, #tpu.memory_space<smem>>, %arg3: memref<15xi32, #tpu.memory_space<smem>>, %arg4: memref<10xi32, #tpu.memory_space<smem>>, %arg5: memref<15xi32, #tpu.memory_space<smem>>) -> (i32, i32) {
    %get3A = arith.index_cast %arg0 : i32 to index
    %get3A_0 = memref.load %arg1[%get3A] : memref<15xi32, #tpu.memory_space<smem>>
    %c0_i32 = arith.constant 0 : i32
    %c0_i32_1 = arith.constant 0 : i32
    return %get3A_0, %c0_i32 : i32, i32
  }
}

</mosaic_0001>

<sc_bundles>
// kernel: kernel.6.cloned.1.call-start
scs
__scs_entry_jumppad:
0x0: {  	(pc) =	sbr.rel $0x88, $3  }
0x1: {  	(tag) =	ssettag $0x0;
	lr =	simm.s32 $0x1  }
0x2: {  	[smem:$0x3F97] =	sst lr;
	_ =	strace $0xD0000000  }
0x3: {  	_ = 	snop  }
0x4: {  	_ = 	snop  }
0x5: {  	_ = 	snop  }
0x6: {  	_ = 	snop  }
0x7: {  	_ = 	snop  }
__scs_overlays_trampoline_lowered:
0x8: {  	[smem:$0x3FA6] =	sst s0  }
0x9: {  	[smem:$0x3FA7] =	sst s1  }
0xa: {  	[smem:$0x3FA8] =	sst s2  }
0xb: {  	[smem:$0x3FA9] =	sst s3  }
0xc: {  	[smem:$0x3FAA] =	sst s4  }
0xd: {  	[smem:$0x3FAB] =	sst s5  }
0xe: {  	[smem:$0x3FAC] =	sst s6  }
0xf: {  	[smem:$0x3FAD] =	sst s7  }
0x10: {  	[smem:$0x3FAE] =	sst s8  }
0x11: {  	[smem:$0x3FAF] =	sst s9;
	s0 =	simm.s32 @!p0 $0x0  }
0x12: {  	s1 =	sld [smem:$0x3F95];
	s0 =	simm.s32 @p0 $0x1  }
0x13: {  	[smem:$0x3FB0] =	sst s0;
	s0 =	simm.s32 @!p1 $0x0  }
0x14: {  	s2 =	sld [smem:$0x3F94];
	s0 =	simm.s32 @p1 $0x1  }
0x15: {  	[smem:$0x3FB1] =	sst s0;
	s0 =	simm.s32 @!p2 $0x0  }
0x16: {  	s3 =	sld [smem:$0x3FDB];
	s0 =	simm.s32 @p2 $0x1  }
0x17: {  	s4 =	simm.s32 $0x1BF5;
	[smem:$0x3FB3] =	sst s0  }
0x18: {  	s0 =	sld [smem:$0x3F96];
	_ =	swait.ge [sflag:s4], $0x0  }
0x19: {  	s7 =	sld [smem:$0x3F97]  }
0x1a: {  	s8 =	sadd.s32 $0xFFFFE003, lr  }
0x1b: {  	s9 =	sadd.s32 $0xFFFFFEF7, lr;
	s5 =	simm.s32 $0xFFFFFFFF;
	p2 =	slt.u32 s8, $0xFFFFF086  }
0x1c: {  	p1 =	slt.u32 s9, $0xF7A;
	s5 =	simm.s32 @!p2 $0x0  }
0x1d: {  	s5 =	simm.s32 @p1 $0x1;
	p0 =	seq.s32 s7, s2  }
0x1e: {  	s7 =	smul.u32 @!p0 $0xF7A, s2;
	p2 =	seq.s32 @!p0 s5, $0x0  }
0x1f: {  	s9 =	smul.u32 $0xF7A, s1;
	s8 =	simm.s32 @!p0 $0x1BF5;
	p2 =	por !p2, p0  }
0x20: {  	[sflag:s8] =	ssyncset.s32 @!p0 $0xFFFFF086;
	s6 =	sadd.s32 @!p0 s3, s7;
	s7 =	simm.s32 @!p0 $0x108  }
0x21: {  	s3 =	sadd.s32 s3, s9;
	s6 =	sadd.s32 @!p0 $0x88, s6;
	s7 =	simm.s32 @p2 $0x1082  }
0x22: {  	[simem:s7], [sflag:s8] =	dma.local @!p0 [hbm:s6], $0xF7A  }
0x23: {  	s9 =	sor.u32 $0xD0000000, s2;
	s6 =	simm.s32 $0x108;
	_ =	swait.ge @!p0 [sflag:s8], $0x0  }
0x24: {  	s3 =	sadd.s32 $0x88, s3;
	s6 =	simm.s32 @!p1 $0x1082;
	[sflag:s4] =	ssyncset.s32 $0xFFFFF086  }
0x25: {  	[simem:s6], [sflag:s4] =	dma.local [hbm:s3], $0xF7A  }
0x26: {  	[smem:$0x3F97] =	sst s1;
	(tag) =	ssettag s2;
	_ =	strace s9  }
0x27: {  	s1 =	sld [smem:$0x3FA7]  }
0x28: {  	s2 =	sld [smem:$0x3FA8]  }
0x29: {  	s4 =	sld [smem:$0x3FAA]  }
0x2a: {  	p0 =	seq.s32 s5, $0x0;
	s5 =	sld [smem:$0x3FAB]  }
0x2b: {  	s6 =	sld [smem:$0x3FAC]  }
0x2c: {  	s7 =	sld [smem:$0x3FAD]  }
0x2d: {  	s3 =	simm.s32 $0x108;
	s8 =	sld [smem:$0x3FAE]  }
0x2e: {  	s3 =	simm.s32 @!p0 $0x1082;
	s9 =	sld [smem:$0x3FAF]  }
0x2f: {  	lr =	sadd.s32 s0, s3;
	s0 =	sld [smem:$0x3FA6]  }
0x30: {  	s3 =	sld [smem:$0x3FA9]  }
0x31: {  	[smem:$0x3FB2] =	sst s10  }
0x32: {  	s10 =	sld [smem:$0x3FB0];
	_ =	sdelay $0x3  }
0x33: {  	p0 =	seq.s32 s10, $0x1;
	s10 =	sld [smem:$0x3FB2];
	_ =	sdelay $0x3  }
0x34: {  	[smem:$0x3FB2] =	sst s10  }
0x35: {  	s10 =	sld [smem:$0x3FB1];
	_ =	sdelay $0x3  }
0x36: {  	p1 =	seq.s32 s10, $0x1;
	s10 =	sld [smem:$0x3FB2];
	_ =	sdelay $0x3  }
0x37: {  	[smem:$0x3FB2] =	sst s10  }
0x38: {  	s10 =	sld [smem:$0x3FB3]  }
0x39: {  	_ = 	snop;
	(pc) =	sbr.ind lr, $3  }
0x3a: {  	_ = 	snop  }
0x3b: {  	_ = 	snop  }
0x3c: {  	p2 =	seq.s32 s10, $0x1;
	s10 =	sld [smem:$0x3FB2]  }
0x3d: {  	_ =	shalt  }
0x3e: {  	_ =	shalt  }
0x3f: {  	_ =	shalt  }
0x40: {  	_ =	shalt  }
0x41: {  	_ =	shalt  }
0x42: {  	_ =	shalt  }
0x43: {  	_ =	shalt  }
0x44: {  	_ =	shalt  }
0x45: {  	_ =	shalt  }
0x46: {  	_ =	shalt  }
0x47: {  	_ =	shalt  }
0x48: {  	_ =	shalt  }
0x49: {  	_ =	shalt  }
0x4a: {  	_ =	shalt  }
0x4b: {  	_ =	shalt  }
0x4c: {  	_ =	shalt  }
0x4d: {  	_ =	shalt  }
0x4e: {  	_ =	shalt  }
0x4f: {  	_ =	shalt  }
0x50: {  	_ =	shalt  }
0x51: {  	_ =	shalt  }
0x52: {  	_ =	shalt  }
0x53: {  	_ =	shalt  }
0x54: {  	_ =	shalt  }
0x55: {  	_ =	shalt  }
0x56: {  	_ =	shalt  }
0x57: {  	_ =	shalt  }
0x58: {  	_ =	shalt  }
0x59: {  	_ =	shalt  }
0x5a: {  	_ =	shalt  }
0x5b: {  	_ =	shalt  }
0x5c: {  	_ =	shalt  }
0x5d: {  	_ =	shalt  }
0x5e: {  	_ =	shalt  }
0x5f: {  	_ =	shalt  }
0x60: {  	_ =	shalt  }
0x61: {  	_ =	shalt  }
0x62: {  	_ =	shalt  }
0x63: {  	_ =	shalt  }
0x64: {  	_ =	shalt  }
0x65: {  	_ =	shalt  }
0x66: {  	_ =	shalt  }
0x67: {  	_ =	shalt  }
0x68: {  	_ =	shalt  }
0x69: {  	_ =	shalt  }
0x6a: {  	_ =	shalt  }
0x6b: {  	_ =	shalt  }
0x6c: {  	_ =	shalt  }
0x6d: {  	_ =	shalt  }
0x6e: {  	_ =	shalt  }
0x6f: {  	_ =	shalt  }
0x70: {  	_ =	shalt  }
0x71: {  	_ =	shalt  }
0x72: {  	_ =	shalt  }
0x73: {  	_ =	shalt  }
0x74: {  	_ =	shalt  }
0x75: {  	_ =	shalt  }
0x76: {  	_ =	shalt  }
0x77: {  	_ =	shalt  }
0x78: {  	_ =	shalt  }
0x79: {  	_ =	shalt  }
0x7a: {  	_ =	shalt  }
0x7b: {  	_ =	shalt  }
0x7c: {  	_ =	shalt  }
0x7d: {  	_ =	shalt  }
0x7e: {  	_ =	shalt  }
0x7f: {  	_ =	shalt  }
0x80: {  	_ =	shalt  }
0x81: {  	_ =	shalt  }
0x82: {  	_ =	shalt  }
0x83: {  	_ =	shalt  }
0x84: {  	_ =	shalt  }
0x85: {  	_ =	shalt  }
0x86: {  	_ =	shalt  }
0x87: {  	_ =	shalt  }
.Lfunc_end0:
.L_simem_size_0:
called_computation_lowered:
.L_overlay_start_0:
0x88: {  	s2 =	sld [smem:$0x3FD9]  }
0x89: {  	s3 =	sld [smem:$0x3FFE];
	_ =	sdelay $0x1  }
0x8a: {  	s1 =	srdreg.scid  }
0x8b: {  	s0 =	sand.u32 $0x1, s1  }
0x8c: {  	s16 =	sshll.u32 s0, $0xA;
	s2 =	sadd.s32 s3, s2  }
0x8d: {  	s2 =	sadd.s32 s2, s16  }
0x8e: {  	[smem:$0x3FBE] =	sst s2  }
0x8f: {  	_ = 	snop  }
0x90: {  	(tm) =	ssettm $0x1  }
0x91: {  	s17 =	sld [smem:$0x3FFB];
	_ =	sdelay $0x3  }
0x92: {  	_ =	strace s17  }
0x93: {  	s2 =	sld [smem:$0x3FFC];
	_ =	sdelay $0x3  }
0x94: {  	_ =	strace s2  }
0x95: {  	s2 =	sld [smem:$0x3FFD];
	_ =	sdelay $0x3  }
0x96: {  	_ =	strace s2  }
0x97: {  	_ =	strace $0x8FFFFFFF  }
0x98: {  	s18 =	sld [smem:$0x3FDB];
	_ =	sdelay $0x1  }
0x99: {  	s19 =	simm.s32 $_scs_section_size  }
0x9a: {  	s4 =	simm.s32 $_size__tile_overlayer_lowered;
	s5 =	simm.s32 $_tile_overlayer_lowered  }
0x9b: {  	s22 =	simm.s32 $0x1BFF;
	s21 =	sshll.u32 s5, $0x1;
	s2 =	sadd.s32 s19, s18  }
0x9c: {  	s6 =	simm.s32 $0x0;
	s20 =	sshll.u32 s4, $0x1;
	s4 =	sadd.s32 s21, s2  }
0x9d: {  	[timem:s6], [sflag:s22] =	dma.local [hbm:s4], s20  }
0x9e: {  	_ =	swait.ge [sflag:s22], s20  }
0x9f: {  	s3 =	ssub.s32 $0x0, s20;
	[sflag:s22] =	ssyncset.done $0x0  }
0xa0: {  	[sflag:s22] =	ssyncadd.s32 s3;
	_ =	sdelay $0x1  }
0xa1: {  	s23 =	simm.s32 $0x1B8B  }
0xa2: {  	_ =	swait.ge [sflag:s23], $0x1  }
0xa3: {  	[sflag:s23] =	ssyncset.done $0x0  }
0xa4: {  	s25 =	simm.s32 $0x1B8E;
	s24 =	sld [smem:$0x3FFE];
	[sflag:s23] =	ssyncadd.s32 $0xFFFFFFFF  }
0xa5: {  	s26 =	simm.s32 $execute0_lowered;
	[smem:$0x3FD2] =	sst s25  }
0xa6: {  	s4 =	sshll.u32 s26, $0x1;
	_ =	strace $0x80000046;
	[dreg:$0x1] =	wrdreg $0xFFFFFFFF  }
0xa7: {  	s28 =	simm.s32 $_size_execute0_lowered;
	s2 =	sadd.s32 s2, s4;
	[dreg:$0x0] =	wrdreg $0x0  }
0xa8: {  	s4 =	sshll.u32 s28, $0x1;
	[dreg:$0x2] =	wrdreg s2  }
0xa9: {  	[dreg:$0x3] =	wrdreg s4  }
0xaa: {  	[dreg:$0x4] =	wrdreg $0xC0  }
0xab: {  	_ =	task [dreg:s6], $0x5FFFF  }
0xac: {  	[dreg:$0x1] =	wrdreg $0xFFFFFFFF  }
0xad: {  	[dreg:$0x0] =	wrdreg $0x60  }
0xae: {  	[dreg:$0x2] =	wrdreg s24  }
0xaf: {  	[dreg:$0x3] =	wrdreg $0x9  }
0xb0: {  	_ =	task.clear_ibuf [dreg:s6], $0x4FFFF;
	_ =	strace $0x90000046  }
0xb1: {  	s29 =	simm.s32 $0x9;
	_ =	strace $0x80000048  }
0xb2: {  	_ =	swait.ge [sflag:s29], $0x1  }
0xb3: {  	[sflag:s29] =	ssyncadd.s32 $0xFFFFFFFF  }
0xb4: {  	_ =	strace $0x90000048  }
0xb5: {  	_ =	sfence  }
0xb6: {  	s30 =	sld [smem:$0x0];
	_ =	sdelay $0x2  }
0xb7: {  	s31 =	sshll.u32 s1, $0xD;
	s1 =	sshrl.u32 s1, $0x2  }
0xb8: {  	s3 =	sand.u32 $0x4000, s31;
	s1 =	sadd.s32 s1, s30  }
0xb9: {  	s0 =	sor.u32 s3, s0;
	s1 =	sshll.u32 s1, $0x11  }
0xba: {  	s0 =	sor.u32 s1, s0  }
0xbb: {  	s0 =	sadd.s32 $0x8F2B, s0  }
0xbc: {  	[sflag:s0] =	ssyncadd.remote.s32 $0x1  }
0xbd: {  	_ =	sfence.sel $0xFFFF  }
0xbe: {  	[dreg:$0x0] =	wrdreg $0xFFFFFFFF;
	(pc) =	sbr.abs _section_cstart, $3  }
0xbf: {  	[dreg:$0x1] =	wrdreg $0xFFFFFFFF  }
0xc0: {  	_ =	task.clear_ibuf [dreg:s6], $0x2FFFF;
	_ =	strace $0x9FFFFFFF  }
0xc1: {  	(tm) =	ssettm $0x7FFFFFFF  }
tec
execute0_lowered:
.L_overlay_start_1:
0x0: {  	(tag) =	ssettag $0x1  }
0x1: {  	s1 =	srdreg.scid  }
0x2: {  	s2 =	simm.s32 $0x0;
	s4 =	sand.u32 $0x1, s1;
	s1 =	rddreg [dreg:$0x0]  }
0x3: {  	s9 =	simm.s32 $0x880;
	[smem:$0x7FF] =	sst s2  }
0x4: {  	s10 =	simm.s32 $0x1080;
	_ =	strace $0x80000047;
	[dreg:$0x4] =	wrdreg s9  }
0x5: {  	s11 =	simm.s32 $0x1880;
	[dreg:$0x5] =	wrdreg s10  }
0x6: {  	s12 =	simm.s32 $0x1C80;
	[dreg:$0x6] =	wrdreg s11  }
0x7: {  	s13 =	simm.s32 $0x2480;
	[dreg:$0x7] =	wrdreg s12  }
0x8: {  	s14 =	simm.s32 $0x2C80;
	[dreg:$0x8] =	wrdreg s13  }
0x9: {  	s15 =	simm.s32 $0x3480;
	[dreg:$0x9] =	wrdreg s14  }
0xa: {  	s16 =	simm.s32 $0x3880;
	[dreg:$0xa] =	wrdreg s15  }
0xb: {  	s17 =	simm.s32 $0x4080;
	[dreg:$0xb] =	wrdreg s16  }
0xc: {  	s18 =	simm.s32 $0x4880;
	[dreg:$0xc] =	wrdreg s17  }
0xd: {  	s19 =	simm.s32 $0x5080;
	[dreg:$0xd] =	wrdreg s18  }
0xe: {  	s20 =	simm.s32 $0x5480;
	[dreg:$0xe] =	wrdreg s19  }
0xf: {  	s21 =	simm.s32 $0x5C80;
	[dreg:$0xf] =	wrdreg s20  }
0x10: {  	s22 =	simm.s32 $0x6480;
	[dreg:$0x10] =	wrdreg s21  }
0x11: {  	s23 =	simm.s32 $0x6C80;
	[dreg:$0x11] =	wrdreg s22  }
0x12: {  	s24 =	simm.s32 $0x7080;
	[dreg:$0x12] =	wrdreg s23  }
0x13: {  	s25 =	simm.s32 $0x7880;
	[dreg:$0x13] =	wrdreg s24  }
0x14: {  	s0 =	stileid.u32;
	s26 =	simm.s32 $0x8080;
	[dreg:$0x14] =	wrdreg s25  }
0x15: {  	s3 =	sshll.u32 s0, $0x5;
	s0 =	simm.s32 $0x8880;
	[dreg:$0x15] =	wrdreg s26  }
0x16: {  	s6 =	simm.s32 $0x9480;
	[dreg:$0x16] =	wrdreg s0  }
0x17: {  	s7 =	simm.s32 $0x9C80;
	[dreg:$0x18] =	wrdreg s6  }
0x18: {  	s8 =	simm.s32 $0xA480;
	[dreg:$0x19] =	wrdreg s7  }
0x19: {  	[dreg:$0x1a] =	wrdreg s8;
	s9 =	simm.s32 $0xA880  }
0x1a: {  	s10 =	simm.s32 $0xB080;
	[dreg:$0x1b] =	wrdreg s9  }
0x1b: {  	s11 =	simm.s32 $0xB880;
	[dreg:$0x1c] =	wrdreg s10  }
0x1c: {  	s12 =	simm.s32 $0xC080;
	[dreg:$0x1d] =	wrdreg s11  }
0x1d: {  	s13 =	simm.s32 $0xC480;
	[dreg:$0x1e] =	wrdreg s12  }
0x1e: {  	s14 =	simm.s32 $0xCC80;
	[dreg:$0x1f] =	wrdreg s13  }
0x1f: {  	s15 =	simm.s32 $0xD480;
	[smem:$0x7F0] =	sst s14  }
0x20: {  	s16 =	simm.s32 $0xDC80;
	[smem:$0x7F1] =	sst s15  }
0x21: {  	s17 =	simm.s32 $0xE080;
	[smem:$0x7F2] =	sst s16  }
0x22: {  	s18 =	simm.s32 $0xE880;
	[smem:$0x7F3] =	sst s17  }
0x23: {  	s28 =	simm.s32 $0x1A480;
	s19 =	simm.s32 $0xF080;
	[smem:$0x7F4] =	sst s18  }
0x24: {  	s29 =	simm.s32 $0x1AC80;
	s20 =	simm.s32 $0xF880;
	[smem:$0x7F5] =	sst s19  }
0x25: {  	s30 =	simm.s32 $0x1B480;
	s21 =	simm.s32 $0xFC80;
	[smem:$0x7F6] =	sst s20  }
0x26: {  	s31 =	simm.s32 $0x1BC80;
	s22 =	simm.s32 $0x10480;
	[smem:$0x7F7] =	sst s21  }
0x27: {  	s5 =	sshll.u32 s4, $0x4;
	s23 =	simm.s32 $0x10C80;
	[smem:$0x7F8] =	sst s22  }
0x28: {  	s4 =	ssub.s32 $0x2, s4;
	s8 =	simm.s32 $0x11480;
	[smem:$0x7F9] =	sst s23  }
0x29: {  	s24 =	simm.s32 $0x11880;
	s25 =	simm.s32 $0x12080;
	[smem:$0x7FA] =	sst s8  }
0x2a: {  	s26 =	simm.s32 $0x12880;
	s3 =	sor.u32 s5, s3;
	[smem:$0x7FB] =	sst s24  }
0x2b: {  	s6 =	sshrl.u32 s4, $0x1;
	s8 =	simm.s32 $0x2;
	[smem:$0x7FC] =	sst s25  }
0x2c: {  	s9 =	simm.s32 $0x80;
	[smem:$0x7FD] =	sst s26;
	s11 =	simm.s32 $0x13480  }
0x2d: {  	s12 =	simm.s32 $0x13C80;
	s13 =	simm.s32 $0x14480;
	s14 =	simm.s32 $0x14C80  }
0x2e: {  	s15 =	simm.s32 $0x15080;
	s16 =	simm.s32 $0x15880;
	s17 =	simm.s32 $0x16080  }
0x2f: {  	s18 =	simm.s32 $0x16880;
	s19 =	simm.s32 $0x16C80;
	s20 =	simm.s32 $0x17480  }
0x30: {  	s21 =	simm.s32 $0x17C80;
	s22 =	simm.s32 $0x18480;
	s23 =	simm.s32 $0x18880  }
0x31: {  	s24 =	simm.s32 $0x19080;
	s5 =	sadd.s32 s3, s1;
	s3 =	smul.u32 $0x380, s3  }
0x32: {  	s25 =	simm.s32 $0x19880;
	s26 =	simm.s32 $0x1A080;
	s5 =	sadd.s32 $0x70000, s5  }
0x33: {  	s7 =	ssub.s32 s4, s6;
	[dreg:$0x2] =	wrdreg s5;
	s3 =	sadd.s32 s1, s3  }
0x34: {  	v2 =	vlaneseq.u32;
	s4 =	sadd.s32 $0x70300, s1;
	s5 =	simm.s32 $0x8C80;
	[dreg:$0x3] =	wrdreg s3  }
0x35: {  	vm0 =	vmmov $0xffff;
	vm1 =	vmmov $0xff;
	v1 =	vshrl.u32 v2, $0x3;
	s6 =	sadd.s32 $0x70500, s1;
	s7 =	smax.u32 s7, $0x1;
	[dreg:$0x17] =	wrdreg s5  }
0x36: {  	v0 =	vand.u32 $0x7, v2;
	v2 =	vor.u32 $0x8, v2;
	v1 =	vmul.u32 $0x8, v1;
	s3 =	sadd.s32 $0x70200, s1;
	s5 =	sadd.s32 $0x70400, s1;
	s1 =	simm.s32 $0x1  }
.LBB2_1:
0x37: {  	s0 =	rddreg [dreg:$0x2]  }
0x38: {  	[tilespmem:s2], [sflag:$0x2] =	stream.linear.gather [hbm4b:s0+s2], $0x80, $0x38;
	[tilespmem:$0x1C080] =	vst v63  }
0x39: {  	_ =	swait.ge [sflag:s8], $0x80  }
0x3a: {  	[sflag:s8] =	ssyncset.done $0x0  }
0x3b: {  	s10 =	rddreg [dreg:$0x3];
	[sflag:s8] =	ssyncadd.s32 $0xFFFFFF80  }
0x3c: {  	[tilespmem:s9], [sflag:$0x2] =	stream.linear.gather [hbm4b:s10+s2], $0x1C000, $0x38;
	[tilespmem:$0x1C080] =	vst v63  }
0x3d: {  	_ =	swait.ge [sflag:s8], $0x1C000  }
0x3e: {  	[sflag:s8] =	ssyncset.done $0x0  }
0x3f: {  	[sflag:s8] =	ssyncadd.s32 $0xFFFE4000  }
0x40: {  	v3 =	vld [tilespmem:$0x0];
	_ =	sdelay $0x4  }
0x41: {  	v4 =	vshrl.u32 v3, $0x3  }
0x42: {  	v4 =	vmul.u32 $0x38, v4  }
0x43: {  	v3 =	vand.u32 $0x7, v3  }
0x44: {  	v3 =	vor.u32 v3, v4  }
0x45: {  	v4 =	vperm.xlane v3, v0;
	_ =	sdelay $0x1  }
0x46: {  	v4 =	vadd.s32 v1, v4;
	_ =	sdelay $0x4  }
0x47: {  	[hbm4b:s3+s2] =	stream.indirect_vreg.scatter [tilespmem:s9], [sflag:$0x1], $0x80, v4, vm0, $0xb8;
	[tilespmem:$0x1C080] =	vst v63  }
0x48: {  	s0 =	rddreg [dreg:$0x4];
	v3 =	vperm.xlane v3, v2  }
0x49: {  	[hbm4b:s4+s2] =	stream.indirect_vreg.scatter [tilespmem:s0], [sflag:$0x1], $0x80, v4, vm0, $0xb8;
	[tilespmem:$0x1C080] =	vst v63  }
0x4a: {  	s10 =	rddreg [dreg:$0x5];
	v3 =	vadd.s32 v1, v3  }
0x4b: {  	[hbm4b:s5+s2] =	stream.indirect_vreg.scatter [tilespmem:s10], [sflag:$0x1], $0x80, v4, vm0, $0xb8;
	[tilespmem:$0x1C080] =	vst v63  }
0x4c: {  	s0 =	rddreg [dreg:$0x6]  }
0x4d: {  	[hbm4b:s6+s2] =	stream.indirect_vreg.scatter [tilespmem:s0], [sflag:$0x1], $0x80, v4, vm1, $0xb8;
	[tilespmem:$0x1C080] =	vst v63  }
0x4e: {  	s10 =	rddreg [dreg:$0x7]  }
0x4f: {  	[hbm4b:s3+s2] =	stream.indirect_vreg.scatter [tilespmem:s10], [sflag:$0x1], $0x80, v3, vm0, $0xb8;
	[tilespmem:$0x1C080] =	vst v63  }
0x50: {  	s0 =	rddreg [dreg:$0x8]  }
0x51: {  	[hbm4b:s4+s2] =	stream.indirect_vreg.scatter [tilespmem:s0], [sflag:$0x1], $0x80, v3, vm0, $0xb8;
	[tilespmem:$0x1C080] =	vst v63  }
0x52: {  	s10 =	rddreg [dreg:$0x9]  }
0x53: {  	[hbm4b:s5+s2] =	stream.indirect_vreg.scatter [tilespmem:s10], [sflag:$0x1], $0x80, v3, vm0, $0xb8;
	[tilespmem:$0x1C080] =	vst v63  }
0x54: {  	s0 =	rddreg [dreg:$0xa]  }
0x55: {  	[hbm4b:s6+s2] =	stream.indirect_vreg.scatter [tilespmem:s0], [sflag:$0x1], $0x80, v3, vm1, $0xb8;
	[tilespmem:$0x1C080] =	vst v63  }
0x56: {  	v3 =	vld [tilespmem:$0x10];
	_ =	sdelay $0x4  }
0x57: {  	v57 =	vshrl.u32 v3, $0x3  }
0x58: {  	v4 =	vmul.u32 $0x38, v57  }
0x59: {  	v3 =	vand.u32 $0x7, v3  }
0x5a: {  	v3 =	vor.u32 v3, v4  }
0x5b: {  	v4 =	vperm.xlane v3, v0;
	_ =	sdelay $0x1  }
0x5c: {  	v4 =	vadd.s32 v1, v4;
	_ =	sdelay $0x3  }
0x5d: {  	s0 =	rddreg [dreg:$0xb]  }
0x5e: {  	[hbm4b:s3+s2] =	stream.indirect_vreg.scatter [tilespmem:s0], [sflag:$0x1], $0x80, v4, vm0, $0xb8;
	[tilespmem:$0x1C080] =	vst v63  }
0x5f: {  	s10 =	rddreg [dreg:$0xc];
	v3 =	vperm.xlane v3, v2  }
0x60: {  	[hbm4b:s4+s2] =	stream.indirect_vreg.scatter [tilespmem:s10], [sflag:$0x1], $0x80, v4, vm0, $0xb8;
	[tilespmem:$0x1C080] =	vst v63  }
0x61: {  	v3 =	vadd.s32 v1, v3;
	s0 =	rddreg [dreg:$0xd]  }
0x62: {  	[hbm4b:s5+s2] =	stream.indirect_vreg.scatter [tilespmem:s0], [sflag:$0x1], $0x80, v4, vm0, $0xb8;
	[tilespmem:$0x1C080] =	vst v63  }
0x63: {  	s10 =	rddreg [dreg:$0xe]  }
0x64: {  	[hbm4b:s6+s2] =	stream.indirect_vreg.scatter [tilespmem:s10], [sflag:$0x1], $0x80, v4, vm1, $0xb8;
	[tilespmem:$0x1C080] =	vst v63  }
0x65: {  	s0 =	rddreg [dreg:$0xf]  }
0x66: {  	[hbm4b:s3+s2] =	stream.indirect_vreg.scatter [tilespmem:s0], [sflag:$0x1], $0x80, v3, vm0, $0xb8;
	[tilespmem:$0x1C080] =	vst v63  }
0x67: {  	s10 =	rddreg [dreg:$0x10]  }
0x68: {  	[hbm4b:s4+s2] =	stream.indirect_vreg.scatter [tilespmem:s10], [sflag:$0x1], $0x80, v3, vm0, $0xb8;
	[tilespmem:$0x1C080] =	vst v63  }
0x69: {  	s0 =	rddreg [dreg:$0x11]  }
0x6a: {  	[hbm4b:s5+s2] =	stream.indirect_vreg.scatter [tilespmem:s0], [sflag:$0x1], $0x80, v3, vm0, $0xb8;
	[tilespmem:$0x1C080] =	vst v63  }
0x6b: {  	s10 =	rddreg [dreg:$0x12]  }
0x6c: {  	[hbm4b:s6+s2] =	stream.indirect_vreg.scatter [tilespmem:s10], [sflag:$0x1], $0x80, v3, vm1, $0xb8;
	[tilespmem:$0x1C080] =	vst v63  }
0x6d: {  	v3 =	vld [tilespmem:$0x20];
	_ =	sdelay $0x4  }
0x6e: {  	v58 =	vshrl.u32 v3, $0x3  }
0x6f: {  	v4 =	vmul.u32 $0x38, v58  }
0x70: {  	v3 =	vand.u32 $0x7, v3  }
0x71: {  	v3 =	vor.u32 v3, v4  }
0x72: {  	v4 =	vperm.xlane v3, v0;
	_ =	sdelay $0x1  }
0x73: {  	v4 =	vadd.s32 v1, v4;
	_ =	sdelay $0x3  }
0x74: {  	s0 =	rddreg [dreg:$0x13]  }
0x75: {  	[hbm4b:s3+s2] =	stream.indirect_vreg.scatter [tilespmem:s0], [sflag:$0x1], $0x80, v4, vm0, $0xb8;
	[tilespmem:$0x1C080] =	vst v63  }
0x76: {  	s10 =	rddreg [dreg:$0x14];
	v3 =	vperm.xlane v3, v2  }
0x77: {  	[hbm4b:s4+s2] =	stream.indirect_vreg.scatter [tilespmem:s10], [sflag:$0x1], $0x80, v4, vm0, $0xb8;
	[tilespmem:$0x1C080] =	vst v63  }
0x78: {  	v3 =	vadd.s32 v1, v3;
	s0 =	rddreg [dreg:$0x15]  }
0x79: {  	[hbm4b:s5+s2] =	stream.indirect_vreg.scatter [tilespmem:s0], [sflag:$0x1], $0x80, v4, vm0, $0xb8;
	[tilespmem:$0x1C080] =	vst v63  }
0x7a: {  	s10 =	rddreg [dreg:$0x16]  }
0x7b: {  	[hbm4b:s6+s2] =	stream.indirect_vreg.scatter [tilespmem:s10], [sflag:$0x1], $0x80, v4, vm1, $0xb8;
	[tilespmem:$0x1C080] =	vst v63  }
0x7c: {  	s0 =	rddreg [dreg:$0x17]  }
0x7d: {  	[hbm4b:s3+s2] =	stream.indirect_vreg.scatter [tilespmem:s0], [sflag:$0x1], $0x80, v3, vm0, $0xb8;
	[tilespmem:$0x1C080] =	vst v63  }
0x7e: {  	s10 =	rddreg [dreg:$0x18]  }
0x7f: {  	[hbm4b:s4+s2] =	stream.indirect_vreg.scatter [tilespmem:s10], [sflag:$0x1], $0x80, v3, vm0, $0xb8;
	[tilespmem:$0x1C080] =	vst v63  }
0x80: {  	s0 =	rddreg [dreg:$0x19]  }
0x81: {  	[hbm4b:s5+s2] =	stream.indirect_vreg.scatter [tilespmem:s0], [sflag:$0x1], $0x80, v3, vm0, $0xb8;
	[tilespmem:$0x1C080] =	vst v63  }
0x82: {  	s10 =	rddreg [dreg:$0x1a]  }
0x83: {  	[hbm4b:s6+s2] =	stream.indirect_vreg.scatter [tilespmem:s10], [sflag:$0x1], $0x80, v3, vm1, $0xb8;
	[tilespmem:$0x1C080] =	vst v63  }
0x84: {  	v3 =	vld [tilespmem:$0x30];
	_ =	sdelay $0x4  }
0x85: {  	v59 =	vshrl.u32 v3, $0x3  }
0x86: {  	v4 =	vmul.u32 $0x38, v59  }
0x87: {  	v3 =	vand.u32 $0x7, v3  }
0x88: {  	v3 =	vor.u32 v3, v4  }
0x89: {  	v4 =	vperm.xlane v3, v0;
	_ =	sdelay $0x1  }
0x8a: {  	v4 =	vadd.s32 v1, v4;
	_ =	sdelay $0x2  }
0x8b: {  	s0 =	rddreg [dreg:$0x1b]  }
0x8c: {  	s10 =	rddreg [dreg:$0x1c]  }
0x8d: {  	[hbm4b:s3+s2] =	stream.indirect_vreg.scatter [tilespmem:s0], [sflag:$0x1], $0x80, v4, vm0, $0xb8;
	[tilespmem:$0x1C080] =	vst v63  }
0x8e: {  	v3 =	vperm.xlane v3, v2;
	s0 =	rddreg [dreg:$0x1d]  }
0x8f: {  	[hbm4b:s4+s2] =	stream.indirect_vreg.scatter [tilespmem:s10], [sflag:$0x1], $0x80, v4, vm0, $0xb8;
	[tilespmem:$0x1C080] =	vst v63  }
0x90: {  	v3 =	vadd.s32 v1, v3;
	s10 =	rddreg [dreg:$0x1e]  }
0x91: {  	[hbm4b:s5+s2] =	stream.indirect_vreg.scatter [tilespmem:s0], [sflag:$0x1], $0x80, v4, vm0, $0xb8;
	[tilespmem:$0x1C080] =	vst v63  }
0x92: {  	s0 =	rddreg [dreg:$0x1f]  }
0x93: {  	[hbm4b:s6+s2] =	stream.indirect_vreg.scatter [tilespmem:s10], [sflag:$0x1], $0x80, v4, vm1, $0xb8;
	[tilespmem:$0x1C080] =	vst v63  }
0x94: {  	s10 =	sld [smem:$0x7F0]  }
0x95: {  	[hbm4b:s3+s2] =	stream.indirect_vreg.scatter [tilespmem:s0], [sflag:$0x1], $0x80, v3, vm0, $0xb8;
	[tilespmem:$0x1C080] =	vst v63  }
0x96: {  	s0 =	sld [smem:$0x7F1]  }
0x97: {  	[hbm4b:s4+s2] =	stream.indirect_vreg.scatter [tilespmem:s10], [sflag:$0x1], $0x80, v3, vm0, $0xb8;
	[tilespmem:$0x1C080] =	vst v63  }
0x98: {  	s10 =	sld [smem:$0x7F2]  }
0x99: {  	[hbm4b:s5+s2] =	stream.indirect_vreg.scatter [tilespmem:s0], [sflag:$0x1], $0x80, v3, vm0, $0xb8;
	[tilespmem:$0x1C080] =	vst v63  }
0x9a: {  	_ = 	snop  }
0x9b: {  	[hbm4b:s6+s2] =	stream.indirect_vreg.scatter [tilespmem:s10], [sflag:$0x1], $0x80, v3, vm1, $0xb8;
	[tilespmem:$0x1C080] =	vst v63  }
0x9c: {  	v3 =	vld [tilespmem:$0x40];
	_ =	sdelay $0x4  }
0x9d: {  	v60 =	vshrl.u32 v3, $0x3  }
0x9e: {  	v4 =	vmul.u32 $0x38, v60  }
0x9f: {  	v3 =	vand.u32 $0x7, v3  }
0xa0: {  	v3 =	vor.u32 v3, v4  }
0xa1: {  	v4 =	vperm.xlane v3, v0;
	_ =	sdelay $0x1  }
0xa2: {  	v4 =	vadd.s32 v1, v4;
	_ =	sdelay $0x1  }
0xa3: {  	s0 =	sld [smem:$0x7F3];
	_ =	sdelay $0x1  }
0xa4: {  	s10 =	sld [smem:$0x7F4]  }
0xa5: {  	[hbm4b:s3+s2] =	stream.indirect_vreg.scatter [tilespmem:s0], [sflag:$0x1], $0x80, v4, vm0, $0xb8;
	[tilespmem:$0x1C080] =	vst v63  }
0xa6: {  	v3 =	vperm.xlane v3, v2;
	s0 =	sld [smem:$0x7F5]  }
0xa7: {  	[hbm4b:s4+s2] =	stream.indirect_vreg.scatter [tilespmem:s10], [sflag:$0x1], $0x80, v4, vm0, $0xb8;
	[tilespmem:$0x1C080] =	vst v63  }
0xa8: {  	v3 =	vadd.s32 v1, v3;
	s10 =	sld [smem:$0x7F6]  }
0xa9: {  	[hbm4b:s5+s2] =	stream.indirect_vreg.scatter [tilespmem:s0], [sflag:$0x1], $0x80, v4, vm0, $0xb8;
	[tilespmem:$0x1C080] =	vst v63  }
0xaa: {  	s0 =	sld [smem:$0x7F7]  }
0xab: {  	[hbm4b:s6+s2] =	stream.indirect_vreg.scatter [tilespmem:s10], [sflag:$0x1], $0x80, v4, vm1, $0xb8;
	[tilespmem:$0x1C080] =	vst v63  }
0xac: {  	s10 =	sld [smem:$0x7F8]  }
0xad: {  	[hbm4b:s3+s2] =	stream.indirect_vreg.scatter [tilespmem:s0], [sflag:$0x1], $0x80, v3, vm0, $0xb8;
	[tilespmem:$0x1C080] =	vst v63  }
0xae: {  	s0 =	sld [smem:$0x7F9]  }
0xaf: {  	[hbm4b:s4+s2] =	stream.indirect_vreg.scatter [tilespmem:s10], [sflag:$0x1], $0x80, v3, vm0, $0xb8;
	[tilespmem:$0x1C080] =	vst v63  }
0xb0: {  	s10 =	sld [smem:$0x7FA]  }
0xb1: {  	[hbm4b:s5+s2] =	stream.indirect_vreg.scatter [tilespmem:s0], [sflag:$0x1], $0x80, v3, vm0, $0xb8;
	[tilespmem:$0x1C080] =	vst v63  }
0xb2: {  	_ = 	snop  }
0xb3: {  	[hbm4b:s6+s2] =	stream.indirect_vreg.scatter [tilespmem:s10], [sflag:$0x1], $0x80, v3, vm1, $0xb8;
	[tilespmem:$0x1C080] =	vst v63  }
0xb4: {  	v3 =	vld [tilespmem:$0x50];
	_ =	sdelay $0x4  }
0xb5: {  	v61 =	vshrl.u32 v3, $0x3  }
0xb6: {  	v4 =	vmul.u32 $0x38, v61  }
0xb7: {  	v3 =	vand.u32 $0x7, v3  }
0xb8: {  	v3 =	vor.u32 v3, v4  }
0xb9: {  	v4 =	vperm.xlane v3, v0;
	_ =	sdelay $0x1  }
0xba: {  	v4 =	vadd.s32 v1, v4;
	_ =	sdelay $0x1  }
0xbb: {  	s0 =	sld [smem:$0x7FB];
	_ =	sdelay $0x1  }
0xbc: {  	s10 =	sld [smem:$0x7FC]  }
0xbd: {  	[hbm4b:s3+s2] =	stream.indirect_vreg.scatter [tilespmem:s0], [sflag:$0x1], $0x80, v4, vm0, $0xb8;
	[tilespmem:$0x1C080] =	vst v63  }
0xbe: {  	v3 =	vperm.xlane v3, v2;
	s0 =	sld [smem:$0x7FD]  }
0xbf: {  	[hbm4b:s4+s2] =	stream.indirect_vreg.scatter [tilespmem:s10], [sflag:$0x1], $0x80, v4, vm0, $0xb8;
	[tilespmem:$0x1C080] =	vst v63  }
0xc0: {  	v3 =	vadd.s32 v1, v3  }
0xc1: {  	[hbm4b:s5+s2] =	stream.indirect_vreg.scatter [tilespmem:s0], [sflag:$0x1], $0x80, v4, vm0, $0xb8;
	[tilespmem:$0x1C080] =	vst v63  }
0xc2: {  	s10 =	simm.s32 $0x13080  }
0xc3: {  	[hbm4b:s6+s2] =	stream.indirect_vreg.scatter [tilespmem:s10], [sflag:$0x1], $0x80, v4, vm1, $0xb8;
	[tilespmem:$0x1C080] =	vst v63  }
0xc4: {  	_ = 	snop  }
0xc5: {  	[hbm4b:s3+s2] =	stream.indirect_vreg.scatter [tilespmem:s11], [sflag:$0x1], $0x80, v3, vm0, $0xb8;
	[tilespmem:$0x1C080] =	vst v63  }
0xc6: {  	_ = 	snop  }
0xc7: {  	[hbm4b:s4+s2] =	stream.indirect_vreg.scatter [tilespmem:s12], [sflag:$0x1], $0x80, v3, vm0, $0xb8;
	[tilespmem:$0x1C080] =	vst v63  }
0xc8: {  	_ = 	snop  }
0xc9: {  	[hbm4b:s5+s2] =	stream.indirect_vreg.scatter [tilespmem:s13], [sflag:$0x1], $0x80, v3, vm0, $0xb8;
	[tilespmem:$0x1C080] =	vst v63  }
0xca: {  	_ = 	snop  }
0xcb: {  	[hbm4b:s6+s2] =	stream.indirect_vreg.scatter [tilespmem:s14], [sflag:$0x1], $0x80, v3, vm1, $0xb8;
	[tilespmem:$0x1C080] =	vst v63  }
0xcc: {  	v3 =	vld [tilespmem:$0x60];
	_ =	sdelay $0x4  }
0xcd: {  	v62 =	vshrl.u32 v3, $0x3  }
0xce: {  	v4 =	vmul.u32 $0x38, v62  }
0xcf: {  	v3 =	vand.u32 $0x7, v3  }
0xd0: {  	v3 =	vor.u32 v3, v4  }
0xd1: {  	v4 =	vperm.xlane v3, v0;
	_ =	sdelay $0x1  }
0xd2: {  	v4 =	vadd.s32 v1, v4;
	_ =	sdelay $0x4  }
0xd3: {  	[hbm4b:s3+s2] =	stream.indirect_vreg.scatter [tilespmem:s15], [sflag:$0x1], $0x80, v4, vm0, $0xb8;
	[tilespmem:$0x1C080] =	vst v63  }
0xd4: {  	v3 =	vperm.xlane v3, v2  }
0xd5: {  	[hbm4b:s4+s2] =	stream.indirect_vreg.scatter [tilespmem:s16], [sflag:$0x1], $0x80, v4, vm0, $0xb8;
	[tilespmem:$0x1C080] =	vst v63  }
0xd6: {  	v3 =	vadd.s32 v1, v3  }
0xd7: {  	[hbm4b:s5+s2] =	stream.indirect_vreg.scatter [tilespmem:s17], [sflag:$0x1], $0x80, v4, vm0, $0xb8;
	[tilespmem:$0x1C080] =	vst v63  }
0xd8: {  	_ = 	snop  }
0xd9: {  	[hbm4b:s6+s2] =	stream.indirect_vreg.scatter [tilespmem:s18], [sflag:$0x1], $0x80, v4, vm1, $0xb8;
	[tilespmem:$0x1C080] =	vst v63  }
0xda: {  	_ = 	snop  }
0xdb: {  	[hbm4b:s3+s2] =	stream.indirect_vreg.scatter [tilespmem:s19], [sflag:$0x1], $0x80, v3, vm0, $0xb8;
	[tilespmem:$0x1C080] =	vst v63  }
0xdc: {  	_ = 	snop  }
0xdd: {  	[hbm4b:s4+s2] =	stream.indirect_vreg.scatter [tilespmem:s20], [sflag:$0x1], $0x80, v3, vm0, $0xb8;
	[tilespmem:$0x1C080] =	vst v63  }
0xde: {  	_ = 	snop  }
0xdf: {  	[hbm4b:s5+s2] =	stream.indirect_vreg.scatter [tilespmem:s21], [sflag:$0x1], $0x80, v3, vm0, $0xb8;
	[tilespmem:$0x1C080] =	vst v63  }
0xe0: {  	_ = 	snop  }
0xe1: {  	[hbm4b:s6+s2] =	stream.indirect_vreg.scatter [tilespmem:s22], [sflag:$0x1], $0x80, v3, vm1, $0xb8;
	[tilespmem:$0x1C080] =	vst v63  }
0xe2: {  	v3 =	vld [tilespmem:$0x70];
	_ =	sdelay $0x4  }
0xe3: {  	v63 =	vshrl.u32 v3, $0x3  }
0xe4: {  	v4 =	vmul.u32 $0x38, v63  }
0xe5: {  	v3 =	vand.u32 $0x7, v3  }
0xe6: {  	v3 =	vor.u32 v3, v4  }
0xe7: {  	v4 =	vperm.xlane v3, v0;
	_ =	sdelay $0x1  }
0xe8: {  	v4 =	vadd.s32 v1, v4;
	_ =	sdelay $0x4  }
0xe9: {  	[hbm4b:s3+s2] =	stream.indirect_vreg.scatter [tilespmem:s23], [sflag:$0x1], $0x80, v4, vm0, $0xb8;
	[tilespmem:$0x1C080] =	vst v63  }
0xea: {  	v3 =	vperm.xlane v3, v2  }
0xeb: {  	[hbm4b:s4+s2] =	stream.indirect_vreg.scatter [tilespmem:s24], [sflag:$0x1], $0x80, v4, vm0, $0xb8;
	[tilespmem:$0x1C080] =	vst v63  }
0xec: {  	v3 =	vadd.s32 v1, v3  }
0xed: {  	[hbm4b:s5+s2] =	stream.indirect_vreg.scatter [tilespmem:s25], [sflag:$0x1], $0x80, v4, vm0, $0xb8;
	[tilespmem:$0x1C080] =	vst v63  }
0xee: {  	_ = 	snop  }
0xef: {  	[hbm4b:s6+s2] =	stream.indirect_vreg.scatter [tilespmem:s26], [sflag:$0x1], $0x80, v4, vm1, $0xb8;
	[tilespmem:$0x1C080] =	vst v63  }
0xf0: {  	_ = 	snop  }
0xf1: {  	[hbm4b:s3+s2] =	stream.indirect_vreg.scatter [tilespmem:s28], [sflag:$0x1], $0x80, v3, vm0, $0xb8;
	[tilespmem:$0x1C080] =	vst v63  }
0xf2: {  	_ = 	snop  }
0xf3: {  	[hbm4b:s4+s2] =	stream.indirect_vreg.scatter [tilespmem:s29], [sflag:$0x1], $0x80, v3, vm0, $0xb8;
	[tilespmem:$0x1C080] =	vst v63  }
0xf4: {  	p0 =	sne.s32 s7, $0x1  }
0xf5: {  	[hbm4b:s5+s2] =	stream.indirect_vreg.scatter [tilespmem:s30], [sflag:$0x1], $0x80, v3, vm0, $0xb8;
	[tilespmem:$0x1C080] =	vst v63  }
.Ltmp0:
0xf6: {  	_ = 	snop;
	(pc) =	sbr.rel @p0 .LBB2_1-.Ltmp0, $4  }
0xf7: {  	[hbm4b:s6+s2] =	stream.indirect_vreg.scatter [tilespmem:s31], [sflag:$0x1], $0x80, v3, vm1, $0xb8;
	[tilespmem:$0x1C080] =	vst v63  }
0xf8: {  	_ =	swait.ge [sflag:s1], $0x1C000  }
0xf9: {  	[sflag:s1] =	ssyncset.done $0x0  }
0xfa: {  	s7 =	sadd.s32 $0xFFFFFFFF, s7;
	[sflag:s1] =	ssyncadd.s32 $0xFFFE4000  }
0xfb: {  	_ =	sfence.sel $0x180000  }
0xfc: {  	[bflag:$0x0] =	sbarrier.arrive $0xFFFF  }
0xfd: {  	_ =	strace $0x90000047  }
0xfe: {  	s0 =	stileid.u32;
	[bflag:$0x2] =	sbarrier.arrive $0xFFFF  }
0xff: {  	p0 =	sne.s32 s0, $0x0;
	s0 =	rddreg [dreg:$0x1]  }
0x100: {  	s0 =	sadd.s32 @!p0 $0x100000, s0  }
0x101: {  	[sflag:s0] =	ssyncadd.tile.s32 @!p0 $0x1;
	_ =	shalt  }
.Lfunc_end2:
_tile_overlayer_lowered:
.L_overlay_start_2:
0x102: {  	(tag) =	ssettag $0x2  }
0x103: {  	s0 =	rddreg [dreg:$0x0];
	s2 =	stileid.u32  }
0x104: {  	s1 =	rddreg [dreg:$0x1];
	p0 =	sne.s32 s2, $0x0  }
0x105: {  	s3 =	rddreg [dreg:$0x2];
	[bflag:$0x3] =	sbarrier.arrive $0xFFFF;
	s2 =	simm.s32 @!p0 $0x1C02  }
0x106: {  	[timem:s3], [sflag:s2] =	dma.local @!p0 [hbm:s0], s1  }
0x107: {  	s0 =	simm.s32 @!p0 $0x2  }
0x108: {  	_ =	swait.ge @!p0 [sflag:s0], s1  }
0x109: {  	s1 =	ssub.s32 @!p0 $0x0, s1;
	[sflag:s0] =	ssyncset.done @!p0 $0x0  }
0x10a: {  	[sflag:s0] =	ssyncadd.s32 @!p0 s1  }
0x10b: {  	[bflag:$0x3] =	sbarrier.arrive $0xFFFF  }
0x10c: {  	_ =	shalt  }

// kernel: kernel.9.cloned.1.call-start
scs
__scs_entry_jumppad:
0x0: {  	(pc) =	sbr.rel $0x88, $3  }
0x1: {  	(tag) =	ssettag $0x0;
	lr =	simm.s32 $0x1  }
0x2: {  	[smem:$0x3F97] =	sst lr;
	_ =	strace $0xD0000000  }
0x3: {  	_ = 	snop  }
0x4: {  	_ = 	snop  }
0x5: {  	_ = 	snop  }
0x6: {  	_ = 	snop  }
0x7: {  	_ = 	snop  }
__scs_overlays_trampoline_lowered:
0x8: {  	[smem:$0x3FA6] =	sst s0  }
0x9: {  	[smem:$0x3FA7] =	sst s1  }
0xa: {  	[smem:$0x3FA8] =	sst s2  }
0xb: {  	[smem:$0x3FA9] =	sst s3  }
0xc: {  	[smem:$0x3FAA] =	sst s4  }
0xd: {  	[smem:$0x3FAB] =	sst s5  }
0xe: {  	[smem:$0x3FAC] =	sst s6  }
0xf: {  	[smem:$0x3FAD] =	sst s7  }
0x10: {  	[smem:$0x3FAE] =	sst s8  }
0x11: {  	[smem:$0x3FAF] =	sst s9;
	s0 =	simm.s32 @!p0 $0x0  }
0x12: {  	s1 =	sld [smem:$0x3F95];
	s0 =	simm.s32 @p0 $0x1  }
0x13: {  	[smem:$0x3FB0] =	sst s0;
	s0 =	simm.s32 @!p1 $0x0  }
0x14: {  	s2 =	sld [smem:$0x3F94];
	s0 =	simm.s32 @p1 $0x1  }
0x15: {  	[smem:$0x3FB1] =	sst s0;
	s0 =	simm.s32 @!p2 $0x0  }
0x16: {  	s3 =	sld [smem:$0x3FDB];
	s0 =	simm.s32 @p2 $0x1  }
0x17: {  	s4 =	simm.s32 $0x1BF5;
	[smem:$0x3FB3] =	sst s0  }
0x18: {  	s0 =	sld [smem:$0x3F96];
	_ =	swait.ge [sflag:s4], $0x0  }
0x19: {  	s7 =	sld [smem:$0x3F97]  }
0x1a: {  	s8 =	sadd.s32 $0xFFFFE003, lr  }
0x1b: {  	s9 =	sadd.s32 $0xFFFFFEF7, lr;
	s5 =	simm.s32 $0xFFFFFFFF;
	p2 =	slt.u32 s8, $0xFFFFF086  }
0x1c: {  	p1 =	slt.u32 s9, $0xF7A;
	s5 =	simm.s32 @!p2 $0x0  }
0x1d: {  	s5 =	simm.s32 @p1 $0x1;
	p0 =	seq.s32 s7, s2  }
0x1e: {  	s7 =	smul.u32 @!p0 $0xF7A, s2;
	p2 =	seq.s32 @!p0 s5, $0x0  }
0x1f: {  	s9 =	smul.u32 $0xF7A, s1;
	s8 =	simm.s32 @!p0 $0x1BF5;
	p2 =	por !p2, p0  }
0x20: {  	[sflag:s8] =	ssyncset.s32 @!p0 $0xFFFFF086;
	s6 =	sadd.s32 @!p0 s3, s7;
	s7 =	simm.s32 @!p0 $0x108  }
0x21: {  	s3 =	sadd.s32 s3, s9;
	s6 =	sadd.s32 @!p0 $0x88, s6;
	s7 =	simm.s32 @p2 $0x1082  }
0x22: {  	[simem:s7], [sflag:s8] =	dma.local @!p0 [hbm:s6], $0xF7A  }
0x23: {  	s9 =	sor.u32 $0xD0000000, s2;
	s6 =	simm.s32 $0x108;
	_ =	swait.ge @!p0 [sflag:s8], $0x0  }
0x24: {  	s3 =	sadd.s32 $0x88, s3;
	s6 =	simm.s32 @!p1 $0x1082;
	[sflag:s4] =	ssyncset.s32 $0xFFFFF086  }
0x25: {  	[simem:s6], [sflag:s4] =	dma.local [hbm:s3], $0xF7A  }
0x26: {  	[smem:$0x3F97] =	sst s1;
	(tag) =	ssettag s2;
	_ =	strace s9  }
0x27: {  	s1 =	sld [smem:$0x3FA7]  }
0x28: {  	s2 =	sld [smem:$0x3FA8]  }
0x29: {  	s4 =	sld [smem:$0x3FAA]  }
0x2a: {  	p0 =	seq.s32 s5, $0x0;
	s5 =	sld [smem:$0x3FAB]  }
0x2b: {  	s6 =	sld [smem:$0x3FAC]  }
0x2c: {  	s7 =	sld [smem:$0x3FAD]  }
0x2d: {  	s3 =	simm.s32 $0x108;
	s8 =	sld [smem:$0x3FAE]  }
0x2e: {  	s3 =	simm.s32 @!p0 $0x1082;
	s9 =	sld [smem:$0x3FAF]  }
0x2f: {  	lr =	sadd.s32 s0, s3;
	s0 =	sld [smem:$0x3FA6]  }
0x30: {  	s3 =	sld [smem:$0x3FA9]  }
0x31: {  	[smem:$0x3FB2] =	sst s10  }
0x32: {  	s10 =	sld [smem:$0x3FB0];
	_ =	sdelay $0x3  }
0x33: {  	p0 =	seq.s32 s10, $0x1;
	s10 =	sld [smem:$0x3FB2];
	_ =	sdelay $0x3  }
0x34: {  	[smem:$0x3FB2] =	sst s10  }
0x35: {  	s10 =	sld [smem:$0x3FB1];
	_ =	sdelay $0x3  }
0x36: {  	p1 =	seq.s32 s10, $0x1;
	s10 =	sld [smem:$0x3FB2];
	_ =	sdelay $0x3  }
0x37: {  	[smem:$0x3FB2] =	sst s10  }
0x38: {  	s10 =	sld [smem:$0x3FB3]  }
0x39: {  	_ = 	snop;
	(pc) =	sbr.ind lr, $3  }
0x3a: {  	_ = 	snop  }
0x3b: {  	_ = 	snop  }
0x3c: {  	p2 =	seq.s32 s10, $0x1;
	s10 =	sld [smem:$0x3FB2]  }
0x3d: {  	_ =	shalt  }
0x3e: {  	_ =	shalt  }
0x3f: {  	_ =	shalt  }
0x40: {  	_ =	shalt  }
0x41: {  	_ =	shalt  }
0x42: {  	_ =	shalt  }
0x43: {  	_ =	shalt  }
0x44: {  	_ =	shalt  }
0x45: {  	_ =	shalt  }
0x46: {  	_ =	shalt  }
0x47: {  	_ =	shalt  }
0x48: {  	_ =	shalt  }
0x49: {  	_ =	shalt  }
0x4a: {  	_ =	shalt  }
0x4b: {  	_ =	shalt  }
0x4c: {  	_ =	shalt  }
0x4d: {  	_ =	shalt  }
0x4e: {  	_ =	shalt  }
0x4f: {  	_ =	shalt  }
0x50: {  	_ =	shalt  }
0x51: {  	_ =	shalt  }
0x52: {  	_ =	shalt  }
0x53: {  	_ =	shalt  }
0x54: {  	_ =	shalt  }
0x55: {  	_ =	shalt  }
0x56: {  	_ =	shalt  }
0x57: {  	_ =	shalt  }
0x58: {  	_ =	shalt  }
0x59: {  	_ =	shalt  }
0x5a: {  	_ =	shalt  }
0x5b: {  	_ =	shalt  }
0x5c: {  	_ =	shalt  }
0x5d: {  	_ =	shalt  }
0x5e: {  	_ =	shalt  }
0x5f: {  	_ =	shalt  }
0x60: {  	_ =	shalt  }
0x61: {  	_ =	shalt  }
0x62: {  	_ =	shalt  }
0x63: {  	_ =	shalt  }
0x64: {  	_ =	shalt  }
0x65: {  	_ =	shalt  }
0x66: {  	_ =	shalt  }
0x67: {  	_ =	shalt  }
0x68: {  	_ =	shalt  }
0x69: {  	_ =	shalt  }
0x6a: {  	_ =	shalt  }
0x6b: {  	_ =	shalt  }
0x6c: {  	_ =	shalt  }
0x6d: {  	_ =	shalt  }
0x6e: {  	_ =	shalt  }
0x6f: {  	_ =	shalt  }
0x70: {  	_ =	shalt  }
0x71: {  	_ =	shalt  }
0x72: {  	_ =	shalt  }
0x73: {  	_ =	shalt  }
0x74: {  	_ =	shalt  }
0x75: {  	_ =	shalt  }
0x76: {  	_ =	shalt  }
0x77: {  	_ =	shalt  }
0x78: {  	_ =	shalt  }
0x79: {  	_ =	shalt  }
0x7a: {  	_ =	shalt  }
0x7b: {  	_ =	shalt  }
0x7c: {  	_ =	shalt  }
0x7d: {  	_ =	shalt  }
0x7e: {  	_ =	shalt  }
0x7f: {  	_ =	shalt  }
0x80: {  	_ =	shalt  }
0x81: {  	_ =	shalt  }
0x82: {  	_ =	shalt  }
0x83: {  	_ =	shalt  }
0x84: {  	_ =	shalt  }
0x85: {  	_ =	shalt  }
0x86: {  	_ =	shalt  }
0x87: {  	_ =	shalt  }
.Lfunc_end0:
.L_simem_size_0:
called_computation.1_lowered:
.L_overlay_start_0:
0x88: {  	s2 =	sld [smem:$0x3FD9]  }
0x89: {  	s3 =	sld [smem:$0x3FFE];
	_ =	sdelay $0x1  }
0x8a: {  	s1 =	srdreg.scid  }
0x8b: {  	s0 =	sand.u32 $0x1, s1  }
0x8c: {  	s17 =	sshll.u32 s0, $0xA;
	s2 =	sadd.s32 s3, s2  }
0x8d: {  	s2 =	sadd.s32 s2, s17  }
0x8e: {  	[smem:$0x3FBE] =	sst s2  }
0x8f: {  	_ = 	snop  }
0x90: {  	s2 =	sld [smem:$0x3FD0];
	(tm) =	ssettm $0x1  }
0x91: {  	s18 =	sld [smem:$0x3FFB];
	_ =	sdelay $0x3  }
0x92: {  	_ =	strace s18  }
0x93: {  	s3 =	sld [smem:$0x3FFC];
	_ =	sdelay $0x3  }
0x94: {  	_ =	strace s3  }
0x95: {  	s3 =	sld [smem:$0x3FFD];
	_ =	sdelay $0x3  }
0x96: {  	_ =	strace s3  }
0x97: {  	_ =	strace $0x8FFFFFFF  }
0x98: {  	s19 =	sld [smem:$0x3FDB];
	_ =	sdelay $0x1  }
0x99: {  	s4 =	simm.s32 $_scs_section_size  }
0x9a: {  	s5 =	simm.s32 $_size__tile_overlayer_lowered;
	s6 =	simm.s32 $_tile_overlayer_lowered  }
0x9b: {  	s22 =	simm.s32 $0x1BFF;
	s21 =	sshll.u32 s6, $0x1;
	s3 =	sadd.s32 s4, s19  }
0x9c: {  	s7 =	simm.s32 $0x0;
	s20 =	sshll.u32 s5, $0x1;
	s5 =	sadd.s32 s21, s3  }
0x9d: {  	[timem:s7], [sflag:s22] =	dma.local [hbm:s5], s20  }
0x9e: {  	_ =	swait.ge [sflag:s22], s20  }
0x9f: {  	s4 =	ssub.s32 $0x0, s20;
	[sflag:s22] =	ssyncset.done $0x0  }
0xa0: {  	[sflag:s22] =	ssyncadd.s32 s4;
	_ =	sdelay $0x1  }
0xa1: {  	s23 =	simm.s32 $0x1B8B  }
0xa2: {  	_ =	swait.ge [sflag:s23], $0x1  }
0xa3: {  	[sflag:s23] =	ssyncset.done $0x0  }
0xa4: {  	s25 =	simm.s32 $0x1B8E;
	s24 =	sld [smem:$0x3FFE];
	[sflag:s23] =	ssyncadd.s32 $0xFFFFFFFF  }
0xa5: {  	s26 =	simm.s32 $execute0_lowered;
	[smem:$0x3FD2] =	sst s25  }
0xa6: {  	s5 =	sshll.u32 s26, $0x1;
	_ =	strace $0x80000049;
	[dreg:$0x1] =	wrdreg $0xFFFFFFFF  }
0xa7: {  	s28 =	simm.s32 $_size_execute0_lowered;
	s3 =	sadd.s32 s3, s5;
	[dreg:$0x0] =	wrdreg $0x0  }
0xa8: {  	s5 =	sshll.u32 s28, $0x1;
	[dreg:$0x2] =	wrdreg s3  }
0xa9: {  	[dreg:$0x3] =	wrdreg s5  }
0xaa: {  	[dreg:$0x4] =	wrdreg $0xC0  }
0xab: {  	_ =	task [dreg:s7], $0x5FFFF  }
0xac: {  	[dreg:$0x1] =	wrdreg $0xFFFFFFFF  }
0xad: {  	[dreg:$0x0] =	wrdreg $0x60  }
0xae: {  	[dreg:$0x2] =	wrdreg s24  }
0xaf: {  	[dreg:$0x3] =	wrdreg s2  }
0xb0: {  	[dreg:$0x4] =	wrdreg $0x9  }
0xb1: {  	_ =	task.clear_ibuf [dreg:s7], $0x5FFFF;
	_ =	strace $0x90000049  }
0xb2: {  	s29 =	simm.s32 $0x9;
	_ =	strace $0x8000004B  }
0xb3: {  	_ =	swait.ge [sflag:s29], $0x1  }
0xb4: {  	[sflag:s29] =	ssyncadd.s32 $0xFFFFFFFF  }
0xb5: {  	_ =	strace $0x9000004B  }
0xb6: {  	_ =	sfence  }
0xb7: {  	s30 =	sld [smem:$0x0];
	_ =	sdelay $0x2  }
0xb8: {  	s31 =	sshll.u32 s1, $0xD;
	s1 =	sshrl.u32 s1, $0x2  }
0xb9: {  	s3 =	sand.u32 $0x4000, s31;
	s1 =	sadd.s32 s1, s30  }
0xba: {  	s0 =	sor.u32 s3, s0;
	s1 =	sshll.u32 s1, $0x11  }
0xbb: {  	s0 =	sor.u32 s1, s0  }
0xbc: {  	s0 =	sadd.s32 $0x8F2B, s0  }
0xbd: {  	[sflag:s0] =	ssyncadd.remote.s32 $0x1  }
0xbe: {  	_ =	sfence.sel $0xFFFF  }
0xbf: {  	[dreg:$0x0] =	wrdreg $0xFFFFFFFF;
	(pc) =	sbr.abs _section_cstart, $3  }
0xc0: {  	[dreg:$0x1] =	wrdreg $0xFFFFFFFF  }
0xc1: {  	_ =	task.clear_ibuf [dreg:s7], $0x2FFFF;
	_ =	strace $0x9FFFFFFF  }
0xc2: {  	(tm) =	ssettm $0x7FFFFFFF  }
0xc3: {  	_ =	shalt  }
tec
execute0_lowered:
.L_overlay_start_1:
0x0: {  	(tag) =	ssettag $0x1  }
0x1: {  	s2 =	rddreg [dreg:$0x0]  }
0x2: {  	s4 =	rddreg [dreg:$0x1];
	s3 =	simm.s32 $0x0  }
0x3: {  	s0 =	stileid.u32;
	s25 =	simm.s32 $0x880;
	[smem:$0x7FF] =	sst s3  }
0x4: {  	s26 =	simm.s32 $0x1080;
	_ =	strace $0x8000004A;
	[dreg:$0x5] =	wrdreg s25  }
0x5: {  	s5 =	sshll.u32 s0, $0x5;
	s0 =	simm.s32 $0x1880;
	[dreg:$0x6] =	wrdreg s26  }
0x6: {  	s7 =	simm.s32 $0x3080;
	[dreg:$0x7] =	wrdreg s0  }
0x7: {  	s8 =	simm.s32 $0x3880;
	[dreg:$0xa] =	wrdreg s7  }
0x8: {  	s9 =	simm.s32 $0x4080;
	[dreg:$0xb] =	wrdreg s8  }
0x9: {  	s10 =	simm.s32 $0x4880;
	[dreg:$0xc] =	wrdreg s9  }
0xa: {  	s11 =	simm.s32 $0x5080;
	[dreg:$0xd] =	wrdreg s10  }
0xb: {  	s12 =	simm.s32 $0x5880;
	[dreg:$0xe] =	wrdreg s11  }
0xc: {  	s13 =	simm.s32 $0x6080;
	[dreg:$0xf] =	wrdreg s12  }
0xd: {  	s14 =	simm.s32 $0x6880;
	[dreg:$0x10] =	wrdreg s13  }
0xe: {  	s1 =	srdreg.scid;
	s15 =	simm.s32 $0x7080;
	[dreg:$0x11] =	wrdreg s14  }
0xf: {  	s16 =	simm.s32 $0x7880;
	s17 =	simm.s32 $0x8080;
	[dreg:$0x12] =	wrdreg s15  }
0x10: {  	s18 =	simm.s32 $0x8880;
	s19 =	simm.s32 $0x9080;
	[dreg:$0x13] =	wrdreg s16  }
0x11: {  	s21 =	simm.s32 $0x9880;
	s22 =	simm.s32 $0xA080;
	[dreg:$0x14] =	wrdreg s17  }
0x12: {  	s23 =	simm.s32 $0xA880;
	s24 =	simm.s32 $0xB880;
	[dreg:$0x15] =	wrdreg s18  }
0x13: {  	s28 =	simm.s32 $0x16080;
	s29 =	simm.s32 $0x16880;
	[dreg:$0x16] =	wrdreg s19  }
0x14: {  	s30 =	simm.s32 $0x17080;
	s1 =	sand.u32 $0x1, s1;
	[dreg:$0x17] =	wrdreg s21  }
0x15: {  	s31 =	simm.s32 $0x17880;
	s6 =	sshll.u32 s1, $0x4;
	[dreg:$0x18] =	wrdreg s22  }
0x16: {  	s1 =	ssub.s32 $0x2, s1;
	[dreg:$0x19] =	wrdreg s23;
	s7 =	simm.s32 $0xB080  }
0x17: {  	[dreg:$0x1b] =	wrdreg s24;
	s25 =	simm.s32 $0xC080;
	s8 =	simm.s32 $0x80  }
0x18: {  	s26 =	simm.s32 $0xC880;
	s10 =	simm.s32 $0xD880;
	s11 =	simm.s32 $0xE080  }
0x19: {  	s12 =	simm.s32 $0xE880;
	s13 =	simm.s32 $0xF080;
	s14 =	simm.s32 $0xF880  }
0x1a: {  	s15 =	simm.s32 $0x10080;
	s16 =	simm.s32 $0x10880;
	s17 =	simm.s32 $0x11080  }
0x1b: {  	s18 =	simm.s32 $0x11880;
	s19 =	simm.s32 $0x12080;
	s21 =	simm.s32 $0x13080  }
0x1c: {  	s22 =	simm.s32 $0x13880;
	s23 =	simm.s32 $0x14080;
	s24 =	simm.s32 $0x14880  }
0x1d: {  	s5 =	sor.u32 s6, s5;
	s20 =	sshrl.u32 s1, $0x1;
	[dreg:$0x1a] =	wrdreg s7  }
0x1e: {  	[dreg:$0x1c] =	wrdreg s25;
	s6 =	sadd.s32 s5, s2;
	s5 =	smul.u32 $0x300, s5  }
0x1f: {  	s7 =	simm.s32 $0x2;
	[dreg:$0x1d] =	wrdreg s26;
	s6 =	sadd.s32 $0x70000, s6  }
0x20: {  	s25 =	simm.s32 $0x15080;
	[dreg:$0x3] =	wrdreg s6;
	s4 =	sadd.s32 s4, s5  }
0x21: {  	s26 =	simm.s32 $0x15880;
	s5 =	simm.s32 $0x2080;
	[dreg:$0x4] =	wrdreg s4  }
0x22: {  	v2 =	vlaneseq.u32;
	s1 =	ssub.s32 s1, s20;
	s6 =	simm.s32 $0x2880;
	[dreg:$0x8] =	wrdreg s5  }
0x23: {  	vm0 =	vmmov $0xffff;
	v1 =	vshrl.u32 v2, $0x3;
	s20 =	simm.s32 $0x12880;
	[dreg:$0x9] =	wrdreg s6;
	s4 =	sadd.s32 $0x100, s2  }
0x24: {  	v0 =	vand.u32 $0x7, v2;
	v2 =	vor.u32 $0x8, v2;
	v1 =	vmul.u32 $0x8, v1;
	s5 =	sadd.s32 $0x200, s2;
	s6 =	smax.u32 s1, $0x1;
	s1 =	simm.s32 $0x1  }
.LBB2_1:
0x25: {  	s0 =	rddreg [dreg:$0x3]  }
0x26: {  	[tilespmem:s3], [sflag:$0x2] =	stream.linear.gather [hbm4b:s0+s3], $0x80, $0x38;
	[tilespmem:$0x18080] =	vst v63  }
0x27: {  	_ =	swait.ge [sflag:s7], $0x80  }
0x28: {  	[sflag:s7] =	ssyncset.done $0x0  }
0x29: {  	[sflag:s7] =	ssyncadd.s32 $0xFFFFFF80  }
0x2a: {  	v3 =	vld [tilespmem:$0x0];
	_ =	sdelay $0x4  }
0x2b: {  	v4 =	vshrl.u32 v3, $0x3  }
0x2c: {  	v4 =	vmul.u32 $0x30, v4  }
0x2d: {  	v3 =	vand.u32 $0x7, v3  }
0x2e: {  	v3 =	vor.u32 v3, v4  }
0x2f: {  	v4 =	vperm.xlane v3, v0;
	_ =	sdelay $0x1  }
0x30: {  	v4 =	vadd.s32 v1, v4;
	_ =	sdelay $0x3  }
0x31: {  	v3 =	vperm.xlane v3, v2  }
0x32: {  	[tilespmem:s8], [sflag:$0x1] =	stream.indirect_vreg.gather [hbm4b:s2+s3], $0x80, v4, vm0, $0xb8;
	[tilespmem:$0x18080] =	vst v63  }
0x33: {  	s0 =	rddreg [dreg:$0x5];
	v3 =	vadd.s32 v1, v3  }
0x34: {  	[tilespmem:s0], [sflag:$0x1] =	stream.indirect_vreg.gather [hbm4b:s4+s3], $0x80, v4, vm0, $0xb8;
	[tilespmem:$0x18080] =	vst v63  }
0x35: {  	s9 =	rddreg [dreg:$0x6]  }
0x36: {  	[tilespmem:s9], [sflag:$0x1] =	stream.indirect_vreg.gather [hbm4b:s5+s3], $0x80, v4, vm0, $0xb8;
	[tilespmem:$0x18080] =	vst v63  }
0x37: {  	s0 =	rddreg [dreg:$0x7]  }
0x38: {  	[tilespmem:s0], [sflag:$0x1] =	stream.indirect_vreg.gather [hbm4b:s2+s3], $0x80, v3, vm0, $0xb8;
	[tilespmem:$0x18080] =	vst v63  }
0x39: {  	s9 =	rddreg [dreg:$0x8]  }
0x3a: {  	[tilespmem:s9], [sflag:$0x1] =	stream.indirect_vreg.gather [hbm4b:s4+s3], $0x80, v3, vm0, $0xb8;
	[tilespmem:$0x18080] =	vst v63  }
0x3b: {  	s0 =	rddreg [dreg:$0x9]  }
0x3c: {  	[tilespmem:s0], [sflag:$0x1] =	stream.indirect_vreg.gather [hbm4b:s5+s3], $0x80, v3, vm0, $0xb8;
	[tilespmem:$0x18080] =	vst v63  }
0x3d: {  	v3 =	vld [tilespmem:$0x10];
	_ =	sdelay $0x4  }
0x3e: {  	v57 =	vshrl.u32 v3, $0x3  }
0x3f: {  	v4 =	vmul.u32 $0x30, v57  }
0x40: {  	v3 =	vand.u32 $0x7, v3  }
0x41: {  	v3 =	vor.u32 v3, v4  }
0x42: {  	v4 =	vperm.xlane v3, v0;
	_ =	sdelay $0x1  }
0x43: {  	v4 =	vadd.s32 v1, v4;
	_ =	sdelay $0x3  }
0x44: {  	s0 =	rddreg [dreg:$0xa];
	v3 =	vperm.xlane v3, v2  }
0x45: {  	[tilespmem:s0], [sflag:$0x1] =	stream.indirect_vreg.gather [hbm4b:s2+s3], $0x80, v4, vm0, $0xb8;
	[tilespmem:$0x18080] =	vst v63  }
0x46: {  	s9 =	rddreg [dreg:$0xb];
	v3 =	vadd.s32 v1, v3  }
0x47: {  	[tilespmem:s9], [sflag:$0x1] =	stream.indirect_vreg.gather [hbm4b:s4+s3], $0x80, v4, vm0, $0xb8;
	[tilespmem:$0x18080] =	vst v63  }
0x48: {  	s0 =	rddreg [dreg:$0xc]  }
0x49: {  	[tilespmem:s0], [sflag:$0x1] =	stream.indirect_vreg.gather [hbm4b:s5+s3], $0x80, v4, vm0, $0xb8;
	[tilespmem:$0x18080] =	vst v63  }
0x4a: {  	s9 =	rddreg [dreg:$0xd]  }
0x4b: {  	[tilespmem:s9], [sflag:$0x1] =	stream.indirect_vreg.gather [hbm4b:s2+s3], $0x80, v3, vm0, $0xb8;
	[tilespmem:$0x18080] =	vst v63  }
0x4c: {  	s0 =	rddreg [dreg:$0xe]  }
0x4d: {  	[tilespmem:s0], [sflag:$0x1] =	stream.indirect_vreg.gather [hbm4b:s4+s3], $0x80, v3, vm0, $0xb8;
	[tilespmem:$0x18080] =	vst v63  }
0x4e: {  	s9 =	rddreg [dreg:$0xf]  }
0x4f: {  	[tilespmem:s9], [sflag:$0x1] =	stream.indirect_vreg.gather [hbm4b:s5+s3], $0x80, v3, vm0, $0xb8;
	[tilespmem:$0x18080] =	vst v63  }
0x50: {  	v3 =	vld [tilespmem:$0x20];
	_ =	sdelay $0x4  }
0x51: {  	v58 =	vshrl.u32 v3, $0x3  }
0x52: {  	v4 =	vmul.u32 $0x30, v58  }
0x53: {  	v3 =	vand.u32 $0x7, v3  }
0x54: {  	v3 =	vor.u32 v3, v4  }
0x55: {  	v4 =	vperm.xlane v3, v0;
	_ =	sdelay $0x1  }
0x56: {  	v4 =	vadd.s32 v1, v4;
	_ =	sdelay $0x3  }
0x57: {  	s0 =	rddreg [dreg:$0x10];
	v3 =	vperm.xlane v3, v2  }
0x58: {  	[tilespmem:s0], [sflag:$0x1] =	stream.indirect_vreg.gather [hbm4b:s2+s3], $0x80, v4, vm0, $0xb8;
	[tilespmem:$0x18080] =	vst v63  }
0x59: {  	s9 =	rddreg [dreg:$0x11];
	v3 =	vadd.s32 v1, v3  }
0x5a: {  	[tilespmem:s9], [sflag:$0x1] =	stream.indirect_vreg.gather [hbm4b:s4+s3], $0x80, v4, vm0, $0xb8;
	[tilespmem:$0x18080] =	vst v63  }
0x5b: {  	s0 =	rddreg [dreg:$0x12]  }
0x5c: {  	[tilespmem:s0], [sflag:$0x1] =	stream.indirect_vreg.gather [hbm4b:s5+s3], $0x80, v4, vm0, $0xb8;
	[tilespmem:$0x18080] =	vst v63  }
0x5d: {  	s9 =	rddreg [dreg:$0x13]  }
0x5e: {  	[tilespmem:s9], [sflag:$0x1] =	stream.indirect_vreg.gather [hbm4b:s2+s3], $0x80, v3, vm0, $0xb8;
	[tilespmem:$0x18080] =	vst v63  }
0x5f: {  	s0 =	rddreg [dreg:$0x14]  }
0x60: {  	[tilespmem:s0], [sflag:$0x1] =	stream.indirect_vreg.gather [hbm4b:s4+s3], $0x80, v3, vm0, $0xb8;
	[tilespmem:$0x18080] =	vst v63  }
0x61: {  	s9 =	rddreg [dreg:$0x15]  }
0x62: {  	[tilespmem:s9], [sflag:$0x1] =	stream.indirect_vreg.gather [hbm4b:s5+s3], $0x80, v3, vm0, $0xb8;
	[tilespmem:$0x18080] =	vst v63  }
0x63: {  	v3 =	vld [tilespmem:$0x30];
	_ =	sdelay $0x4  }
0x64: {  	v59 =	vshrl.u32 v3, $0x3  }
0x65: {  	v4 =	vmul.u32 $0x30, v59  }
0x66: {  	v3 =	vand.u32 $0x7, v3  }
0x67: {  	v3 =	vor.u32 v3, v4  }
0x68: {  	v4 =	vperm.xlane v3, v0;
	_ =	sdelay $0x1  }
0x69: {  	v4 =	vadd.s32 v1, v4;
	_ =	sdelay $0x3  }
0x6a: {  	s0 =	rddreg [dreg:$0x16];
	v3 =	vperm.xlane v3, v2  }
0x6b: {  	[tilespmem:s0], [sflag:$0x1] =	stream.indirect_vreg.gather [hbm4b:s2+s3], $0x80, v4, vm0, $0xb8;
	[tilespmem:$0x18080] =	vst v63  }
0x6c: {  	s9 =	rddreg [dreg:$0x17];
	v3 =	vadd.s32 v1, v3  }
0x6d: {  	[tilespmem:s9], [sflag:$0x1] =	stream.indirect_vreg.gather [hbm4b:s4+s3], $0x80, v4, vm0, $0xb8;
	[tilespmem:$0x18080] =	vst v63  }
0x6e: {  	s0 =	rddreg [dreg:$0x18]  }
0x6f: {  	[tilespmem:s0], [sflag:$0x1] =	stream.indirect_vreg.gather [hbm4b:s5+s3], $0x80, v4, vm0, $0xb8;
	[tilespmem:$0x18080] =	vst v63  }
0x70: {  	s9 =	rddreg [dreg:$0x19]  }
0x71: {  	[tilespmem:s9], [sflag:$0x1] =	stream.indirect_vreg.gather [hbm4b:s2+s3], $0x80, v3, vm0, $0xb8;
	[tilespmem:$0x18080] =	vst v63  }
0x72: {  	s0 =	rddreg [dreg:$0x1a]  }
0x73: {  	[tilespmem:s0], [sflag:$0x1] =	stream.indirect_vreg.gather [hbm4b:s4+s3], $0x80, v3, vm0, $0xb8;
	[tilespmem:$0x18080] =	vst v63  }
0x74: {  	s9 =	rddreg [dreg:$0x1b]  }
0x75: {  	[tilespmem:s9], [sflag:$0x1] =	stream.indirect_vreg.gather [hbm4b:s5+s3], $0x80, v3, vm0, $0xb8;
	[tilespmem:$0x18080] =	vst v63  }
0x76: {  	v3 =	vld [tilespmem:$0x40];
	_ =	sdelay $0x4  }
0x77: {  	v60 =	vshrl.u32 v3, $0x3  }
0x78: {  	v4 =	vmul.u32 $0x30, v60  }
0x79: {  	v3 =	vand.u32 $0x7, v3  }
0x7a: {  	v3 =	vor.u32 v3, v4  }
0x7b: {  	v4 =	vperm.xlane v3, v0;
	_ =	sdelay $0x1  }
0x7c: {  	v4 =	vadd.s32 v1, v4;
	_ =	sdelay $0x3  }
0x7d: {  	s0 =	rddreg [dreg:$0x1c];
	v3 =	vperm.xlane v3, v2  }
0x7e: {  	[tilespmem:s0], [sflag:$0x1] =	stream.indirect_vreg.gather [hbm4b:s2+s3], $0x80, v4, vm0, $0xb8;
	[tilespmem:$0x18080] =	vst v63  }
0x7f: {  	s9 =	rddreg [dreg:$0x1d];
	v3 =	vadd.s32 v1, v3  }
0x80: {  	[tilespmem:s9], [sflag:$0x1] =	stream.indirect_vreg.gather [hbm4b:s4+s3], $0x80, v4, vm0, $0xb8;
	[tilespmem:$0x18080] =	vst v63  }
0x81: {  	s9 =	simm.s32 $0xD080  }
0x82: {  	[tilespmem:s9], [sflag:$0x1] =	stream.indirect_vreg.gather [hbm4b:s5+s3], $0x80, v4, vm0, $0xb8;
	[tilespmem:$0x18080] =	vst v63  }
0x83: {  	_ = 	snop  }
0x84: {  	[tilespmem:s10], [sflag:$0x1] =	stream.indirect_vreg.gather [hbm4b:s2+s3], $0x80, v3, vm0, $0xb8;
	[tilespmem:$0x18080] =	vst v63  }
0x85: {  	_ = 	snop  }
0x86: {  	[tilespmem:s11], [sflag:$0x1] =	stream.indirect_vreg.gather [hbm4b:s4+s3], $0x80, v3, vm0, $0xb8;
	[tilespmem:$0x18080] =	vst v63  }
0x87: {  	_ = 	snop  }
0x88: {  	[tilespmem:s12], [sflag:$0x1] =	stream.indirect_vreg.gather [hbm4b:s5+s3], $0x80, v3, vm0, $0xb8;
	[tilespmem:$0x18080] =	vst v63  }
0x89: {  	v3 =	vld [tilespmem:$0x50];
	_ =	sdelay $0x4  }
0x8a: {  	v61 =	vshrl.u32 v3, $0x3  }
0x8b: {  	v4 =	vmul.u32 $0x30, v61  }
0x8c: {  	v3 =	vand.u32 $0x7, v3  }
0x8d: {  	v3 =	vor.u32 v3, v4  }
0x8e: {  	v4 =	vperm.xlane v3, v0;
	_ =	sdelay $0x1  }
0x8f: {  	v4 =	vadd.s32 v1, v4;
	_ =	sdelay $0x3  }
0x90: {  	v3 =	vperm.xlane v3, v2  }
0x91: {  	[tilespmem:s13], [sflag:$0x1] =	stream.indirect_vreg.gather [hbm4b:s2+s3], $0x80, v4, vm0, $0xb8;
	[tilespmem:$0x18080] =	vst v63  }
0x92: {  	v3 =	vadd.s32 v1, v3  }
0x93: {  	[tilespmem:s14], [sflag:$0x1] =	stream.indirect_vreg.gather [hbm4b:s4+s3], $0x80, v4, vm0, $0xb8;
	[tilespmem:$0x18080] =	vst v63  }
0x94: {  	_ = 	snop  }
0x95: {  	[tilespmem:s15], [sflag:$0x1] =	stream.indirect_vreg.gather [hbm4b:s5+s3], $0x80, v4, vm0, $0xb8;
	[tilespmem:$0x18080] =	vst v63  }
0x96: {  	_ = 	snop  }
0x97: {  	[tilespmem:s16], [sflag:$0x1] =	stream.indirect_vreg.gather [hbm4b:s2+s3], $0x80, v3, vm0, $0xb8;
	[tilespmem:$0x18080] =	vst v63  }
0x98: {  	_ = 	snop  }
0x99: {  	[tilespmem:s17], [sflag:$0x1] =	stream.indirect_vreg.gather [hbm4b:s4+s3], $0x80, v3, vm0, $0xb8;
	[tilespmem:$0x18080] =	vst v63  }
0x9a: {  	_ = 	snop  }
0x9b: {  	[tilespmem:s18], [sflag:$0x1] =	stream.indirect_vreg.gather [hbm4b:s5+s3], $0x80, v3, vm0, $0xb8;
	[tilespmem:$0x18080] =	vst v63  }
0x9c: {  	v3 =	vld [tilespmem:$0x60];
	_ =	sdelay $0x4  }
0x9d: {  	v62 =	vshrl.u32 v3, $0x3  }
0x9e: {  	v4 =	vmul.u32 $0x30, v62  }
0x9f: {  	v3 =	vand.u32 $0x7, v3  }
0xa0: {  	v3 =	vor.u32 v3, v4  }
0xa1: {  	v4 =	vperm.xlane v3, v0;
	_ =	sdelay $0x1  }
0xa2: {  	v4 =	vadd.s32 v1, v4;
	_ =	sdelay $0x3  }
0xa3: {  	v3 =	vperm.xlane v3, v2  }
0xa4: {  	[tilespmem:s19], [sflag:$0x1] =	stream.indirect_vreg.gather [hbm4b:s2+s3], $0x80, v4, vm0, $0xb8;
	[tilespmem:$0x18080] =	vst v63  }
0xa5: {  	v3 =	vadd.s32 v1, v3  }
0xa6: {  	[tilespmem:s20], [sflag:$0x1] =	stream.indirect_vreg.gather [hbm4b:s4+s3], $0x80, v4, vm0, $0xb8;
	[tilespmem:$0x18080] =	vst v63  }
0xa7: {  	_ = 	snop  }
0xa8: {  	[tilespmem:s21], [sflag:$0x1] =	stream.indirect_vreg.gather [hbm4b:s5+s3], $0x80, v4, vm0, $0xb8;
	[tilespmem:$0x18080] =	vst v63  }
0xa9: {  	_ = 	snop  }
0xaa: {  	[tilespmem:s22], [sflag:$0x1] =	stream.indirect_vreg.gather [hbm4b:s2+s3], $0x80, v3, vm0, $0xb8;
	[tilespmem:$0x18080] =	vst v63  }
0xab: {  	_ = 	snop  }
0xac: {  	[tilespmem:s23], [sflag:$0x1] =	stream.indirect_vreg.gather [hbm4b:s4+s3], $0x80, v3, vm0, $0xb8;
	[tilespmem:$0x18080] =	vst v63  }
0xad: {  	_ = 	snop  }
0xae: {  	[tilespmem:s24], [sflag:$0x1] =	stream.indirect_vreg.gather [hbm4b:s5+s3], $0x80, v3, vm0, $0xb8;
	[tilespmem:$0x18080] =	vst v63  }
0xaf: {  	v3 =	vld [tilespmem:$0x70];
	_ =	sdelay $0x4  }
0xb0: {  	v63 =	vshrl.u32 v3, $0x3  }
0xb1: {  	v4 =	vmul.u32 $0x30, v63  }
0xb2: {  	v3 =	vand.u32 $0x7, v3  }
0xb3: {  	v3 =	vor.u32 v3, v4  }
0xb4: {  	v4 =	vperm.xlane v3, v0;
	_ =	sdelay $0x1  }
0xb5: {  	v4 =	vadd.s32 v1, v4;
	_ =	sdelay $0x3  }
0xb6: {  	v3 =	vperm.xlane v3, v2  }
0xb7: {  	[tilespmem:s25], [sflag:$0x1] =	stream.indirect_vreg.gather [hbm4b:s2+s3], $0x80, v4, vm0, $0xb8;
	[tilespmem:$0x18080] =	vst v63  }
0xb8: {  	v3 =	vadd.s32 v1, v3  }
0xb9: {  	[tilespmem:s26], [sflag:$0x1] =	stream.indirect_vreg.gather [hbm4b:s4+s3], $0x80, v4, vm0, $0xb8;
	[tilespmem:$0x18080] =	vst v63  }
0xba: {  	_ = 	snop  }
0xbb: {  	[tilespmem:s28], [sflag:$0x1] =	stream.indirect_vreg.gather [hbm4b:s5+s3], $0x80, v4, vm0, $0xb8;
	[tilespmem:$0x18080] =	vst v63  }
0xbc: {  	_ = 	snop  }
0xbd: {  	[tilespmem:s29], [sflag:$0x1] =	stream.indirect_vreg.gather [hbm4b:s2+s3], $0x80, v3, vm0, $0xb8;
	[tilespmem:$0x18080] =	vst v63  }
0xbe: {  	_ = 	snop  }
0xbf: {  	[tilespmem:s30], [sflag:$0x1] =	stream.indirect_vreg.gather [hbm4b:s4+s3], $0x80, v3, vm0, $0xb8;
	[tilespmem:$0x18080] =	vst v63  }
0xc0: {  	_ = 	snop  }
0xc1: {  	[tilespmem:s31], [sflag:$0x1] =	stream.indirect_vreg.gather [hbm4b:s5+s3], $0x80, v3, vm0, $0xb8;
	[tilespmem:$0x18080] =	vst v63  }
0xc2: {  	_ =	swait.ge [sflag:s1], $0x18000  }
0xc3: {  	p0 =	sne.s32 s6, $0x1;
	[sflag:s1] =	ssyncset.done $0x0  }
.Ltmp0:
0xc4: {  	s9 =	rddreg [dreg:$0x4];
	[sflag:s1] =	ssyncadd.s32 $0xFFFE8000;
	(pc) =	sbr.rel @p0 .LBB2_1-.Ltmp0, $4  }
0xc5: {  	[hbm4b:s9+s3] =	stream.linear.scatter [tilespmem:s8], [sflag:$0x2], $0x18000, $0x38;
	[tilespmem:$0x18080] =	vst v63  }
0xc6: {  	_ =	swait.ge [sflag:s7], $0x18000  }
0xc7: {  	[sflag:s7] =	ssyncset.done $0x0  }
0xc8: {  	s6 =	sadd.s32 $0xFFFFFFFF, s6;
	[sflag:s7] =	ssyncadd.s32 $0xFFFE8000  }
0xc9: {  	_ =	sfence.sel $0x180000  }
0xca: {  	[bflag:$0x0] =	sbarrier.arrive $0xFFFF  }
0xcb: {  	_ =	strace $0x9000004A  }
0xcc: {  	s0 =	stileid.u32;
	[bflag:$0x2] =	sbarrier.arrive $0xFFFF  }
0xcd: {  	p0 =	sne.s32 s0, $0x0;
	s0 =	rddreg [dreg:$0x2]  }
0xce: {  	s0 =	sadd.s32 @!p0 $0x100000, s0  }
0xcf: {  	[sflag:s0] =	ssyncadd.tile.s32 @!p0 $0x1;
	_ =	shalt  }
.Lfunc_end2:
_tile_overlayer_lowered:
.L_overlay_start_2:
0xd0: {  	(tag) =	ssettag $0x2  }
0xd1: {  	s0 =	rddreg [dreg:$0x0];
	s2 =	stileid.u32  }
0xd2: {  	s1 =	rddreg [dreg:$0x1];
	p0 =	sne.s32 s2, $0x0  }
0xd3: {  	s3 =	rddreg [dreg:$0x2];
	[bflag:$0x3] =	sbarrier.arrive $0xFFFF;
	s2 =	simm.s32 @!p0 $0x1C02  }
0xd4: {  	[timem:s3], [sflag:s2] =	dma.local @!p0 [hbm:s0], s1  }
0xd5: {  	s0 =	simm.s32 @!p0 $0x2  }
0xd6: {  	_ =	swait.ge @!p0 [sflag:s0], s1  }
0xd7: {  	s1 =	ssub.s32 @!p0 $0x0, s1;
	[sflag:s0] =	ssyncset.done @!p0 $0x0  }
0xd8: {  	[sflag:s0] =	ssyncadd.s32 @!p0 s1  }
0xd9: {  	[bflag:$0x3] =	sbarrier.arrive $0xFFFF  }
0xda: {  	_ =	shalt  }

</sc_bundles>
